<compile_context>
chip_gen: v7x
topology: tpu7x:2x2x1
jax: 0.10.2.dev20260603
libtpu: 0.0.44.dev20260713+nightly
codegen_flags: <defaults>
</compile_context>

<pallas_src>
import functools

import jax
import jax.numpy as jnp
from jax import lax
from jax.experimental import pallas as pl
from jax.experimental.pallas import tpu as pltpu
from jax.experimental.pallas import tpu_sc as plsc

N = 10000
E = 320000
D = 128

NC = 2
NS = 16
NW = NC * NS
CH = 128
NCH = 80
NPH = 2
EPW = NCH * CH
EPAD = NW * EPW
NPAD = 10112
RPT = NPAD // NS

_LANES = 16


def _sc_body(x_hbm, src_hbm, dst_hbm, acc_out,
             acc_sh, src_v, dst_v, rows_v, gsem0, gsem1):
    cid = lax.axis_index("c")
    sid = lax.axis_index("s")
    wid = cid * NS + sid

    zero16 = jnp.zeros((_LANES,), jnp.float32)

    def _zrow(r, c):
        for k in range(D // _LANES):
            rows_v[0, r, pl.ds(k * _LANES, _LANES)] = zero16
        return c
    lax.fori_loop(0, CH, _zrow, 0)

    def _zacc(i, c):
        pltpu.sync_copy(rows_v.at[0],
                        acc_sh.at[pl.ds(sid * RPT + i * CH, CH)])
        return c
    lax.fori_loop(0, RPT // CH, _zacc, 0)
    _ZREM = RPT - (RPT // CH) * CH
    if _ZREM:
        pltpu.sync_copy(
            rows_v.at[0, pl.ds(0, _ZREM)],
            acc_sh.at[pl.ds(sid * RPT + (RPT // CH) * CH, _ZREM)])

    pltpu.sync_copy(src_hbm.at[wid], src_v)

    plsc.subcore_barrier()

    def _start_g(j, b, sem):
        pltpu.async_copy(x_hbm.at[src_v.at[j]], rows_v.at[b], sem)

    def _wait_g(b, sem):
        pltpu.make_async_copy(
            x_hbm.at[src_v.at[0]], rows_v.at[b], sem).wait()

    def _scat(j, b):
        pltpu.sync_copy(rows_v.at[b], acc_sh.at[dst_v.at[j]], add=True)

    CPP = NCH // NPH
    for p in range(NPH):
        pltpu.sync_copy(dst_hbm.at[wid, pl.ds(p * CPP, CPP)], dst_v)
        _start_g(p * CPP, 0, gsem0)

        def _chunk2(i, c, p=p):
            jg = p * CPP + 2 * i
            jl = 2 * i
            _wait_g(0, gsem0)
            _start_g(jg + 1, 1, gsem1)
            _scat(jl, 0)
            _wait_g(1, gsem1)
            _start_g(lax.min(jg + 2, NCH - 1), 0, gsem0)
            _scat(jl + 1, 1)
            return c
        lax.fori_loop(0, CPP // 2, _chunk2, 0)
        _wait_g(0, gsem0)

    plsc.subcore_barrier()

    pltpu.sync_copy(acc_sh.at[pl.ds(sid * RPT, RPT)],
                    acc_out.at[cid, pl.ds(sid * RPT, RPT)])


_sc_scatter = functools.partial(
    pl.kernel,
    out_type=jax.ShapeDtypeStruct((NC, NPAD, D), jnp.float32),
    mesh=plsc.VectorSubcoreMesh(core_axis_name="c", subcore_axis_name="s"),
    scratch_types=[
        pltpu.VMEM_SHARED((NPAD, D), jnp.float32),
        pltpu.VMEM((NCH, CH), jnp.int32),
        pltpu.VMEM((NCH // 2, CH), jnp.int32),
        pltpu.VMEM((2, CH, D), jnp.float32),
        pltpu.SemaphoreType.DMA,
        pltpu.SemaphoreType.DMA,
    ],
)(_sc_body)



DB_R = 8
DB_C = 1280
EPAD2 = 256 * DB_C
DROWS = NPAD // 128


def _deg_body(dst_ref, deg_ref):
    i = pl.program_id(0)

    @pl.when(i == 0)
    def _init():
        deg_ref[...] = jnp.zeros_like(deg_ref)

    d = dst_ref[...]
    acc = deg_ref[...]
    dn = (((1,), (0,)), ((), ()))
    for r in range(DB_R):
        dr = d[r]
        rowid = lax.shift_right_logical(dr, 7)
        colid = lax.bitwise_and(dr, 127)
        oh_r = (lax.broadcasted_iota(jnp.int32, (DROWS, DB_C), 0)
                == rowid[None, :]).astype(jnp.float32)
        oh_c = (colid[:, None]
                == lax.broadcasted_iota(jnp.int32, (DB_C, 128), 1)
                ).astype(jnp.float32)
        acc = acc + lax.dot_general(oh_r, oh_c, dn)
    deg_ref[...] = acc


def _deg_hist(dst2):
    return pl.pallas_call(
        _deg_body,
        grid=(EPAD2 // (DB_R * DB_C),),
        in_specs=[pl.BlockSpec((DB_R, DB_C), lambda i: (i, 0))],
        out_specs=pl.BlockSpec((DROWS, 128), lambda i: (0, 0)),
        out_shape=jax.ShapeDtypeStruct((DROWS, 128), jnp.float32),
    )(dst2)



BN = 1264


def _tc_body(acc_ref, deg_ref, wp_ref, wc_ref, bp_ref, bc_ref, out_ref):
    hi = lax.Precision.HIGHEST
    dn = (((1,), (0,)), ((), ()))
    W = lax.dot_general(wp_ref[...], wc_ref[...], dn, precision=hi)
    bb = lax.dot_general(bp_ref[...], wc_ref[...], dn, precision=hi)
    s = acc_ref[0] + acc_ref[1]
    deg = deg_ref[...]
    mm = lax.dot_general(s, W, dn, precision=hi)
    inv = 1.0 / jnp.maximum(deg, 1.0)
    has = jnp.where(deg > 0.0, 1.0, 0.0)
    out_ref[...] = jnp.maximum(mm * inv + has * bb + bc_ref[...], 0.0)


def _tc_finish(acc, deg_col, W_proj, W_conv, b_proj2, b_conv2):
    return pl.pallas_call(
        _tc_body,
        grid=(NPAD // BN,),
        in_specs=[
            pl.BlockSpec((NC, BN, D), lambda i: (0, i, 0)),
            pl.BlockSpec((BN, 1), lambda i: (i, 0)),
            pl.BlockSpec((D, D), lambda i: (0, 0)),
            pl.BlockSpec((D, D), lambda i: (0, 0)),
            pl.BlockSpec((1, D), lambda i: (0, 0)),
            pl.BlockSpec((1, D), lambda i: (0, 0)),
        ],
        out_specs=pl.BlockSpec((BN, D), lambda i: (i, 0)),
        out_shape=jax.ShapeDtypeStruct((NPAD, D), jnp.float32),
    )(acc, deg_col, W_proj, W_conv, b_proj2, b_conv2)


def kernel(x, edge_index, W_proj, b_proj, W_conv, b_conv):
    src = edge_index[0]
    dst = edge_index[1]
    src_p = jnp.concatenate(
        [src, jnp.zeros((EPAD - E,), jnp.int32)]).reshape(NW, NCH, CH)
    dst_p = jnp.concatenate(
        [dst, jnp.full((EPAD - E,), N, jnp.int32)]).reshape(NW, NCH, CH)
    dst2 = jnp.concatenate(
        [dst, jnp.full((EPAD2 - E,), N, jnp.int32)]).reshape(-1, DB_C)
    acc = _sc_scatter(x, src_p, dst_p)
    deg_col = _deg_hist(dst2).reshape(NPAD, 1)
    out = _tc_finish(acc, deg_col, W_proj, W_conv,
                     b_proj.reshape(1, D), b_conv.reshape(1, D))
    return out[:N]

# --- scband reference (transcript-rebuilt; emitter-appended) ---
"""Pipeline reference for scband-gcn-17592186044980 (READ-ONLY COPY).

The authoritative reference and input builder live on the scoring server;
editing this copy changes nothing except your own understanding.
"""

import jax, jax.numpy as jnp
import numpy as np

N = 10000
E = 320000
D = 128


def setup_inputs(seed: int = 0) -> dict:
    key = jax.random.key(seed)
    ks = jax.random.split(key, 6)
    x = jax.random.normal(ks[0], (N, D), dtype=jnp.float32)
    edge_index = jax.random.randint(ks[1], (2, E), 0, N, dtype=jnp.int32)
    # projection_layer['node']: Linear(128 -> 128)
    W_proj = jax.random.normal(ks[2], (D, D), dtype=jnp.float32) * (1.0 / np.sqrt(D))
    b_proj = jnp.zeros((D,), dtype=jnp.float32)
    # GraphConv (norm='right', weight=True, bias=True): 128 -> 128
    W_conv = jax.random.normal(ks[3], (D, D), dtype=jnp.float32) * (1.0 / np.sqrt(D))
    b_conv = jnp.zeros((D,), dtype=jnp.float32)
    return {"x": x, "edge_index": edge_index, "W_proj": W_proj, "b_proj": b_proj,
            "W_conv": W_conv, "b_conv": b_conv}


def reference(x, edge_index, W_proj, b_proj, W_conv, b_conv):
    # projection layer (applied to node features before GCN layers)
    h = x @ W_proj + b_proj
    # dgl GraphConv with norm='right' and in_feat == out_feat:
    # transform source features first, aggregate by sum over incoming edges,
    # then normalize by in-degree of destination, add bias.
    m = h @ W_conv
    src = edge_index[0]
    dst = edge_index[1]
    agg = jax.ops.segment_sum(m[src], dst, num_segments=N)
    deg = jax.ops.segment_sum(jnp.ones((E,), dtype=jnp.float32), dst, num_segments=N)
    out = agg / jnp.clip(deg, 1.0)[:, None] + b_conv
    # HeteroGraphConv aggregate='sum' over a single etype is identity
    # activation=F.relu; dropout(p=0) is identity; no self loop
    out = jax.nn.relu(out)
    return out

if __name__ == "__main__":
    import jax
    _d = setup_inputs()
    print(jax.jit(kernel)(*tuple(_d.values())))

</pallas_src>

<mosaic_0001>
#map = affine_map<(d0, d1) -> (0, 0)>
#map1 = affine_map<(d0, d1) -> (0, 0, 0)>
module attributes {stable_mosaic.version = 14 : i64} {
  func.func @_sc_body(%arg0: i32, %arg1: i32, %arg2: memref<10000x128xf32, #tpu.memory_space<hbm>>, %arg3: memref<32x80x128xi32, #tpu.memory_space<hbm>>, %arg4: memref<32x80x128xi32, #tpu.memory_space<hbm>>, %arg5: memref<2x10112x128xf32, #tpu.memory_space<hbm>>, %arg6: memref<10112x128xf32, #tpu.memory_space<vmem_shared>>, %arg7: memref<80x128xi32, #tpu.memory_space<vmem>>, %arg8: memref<40x128xi32, #tpu.memory_space<vmem>>, %arg9: memref<2x128x128xf32, #tpu.memory_space<vmem>>, %arg10: memref<!tpu.dma_semaphore, #tpu.memory_space<semaphore_mem>>, %arg11: memref<!tpu.dma_semaphore, #tpu.memory_space<semaphore_mem>>) attributes {dimension_semantics = [#tpu.dimension_semantics<core_parallel>, #tpu.dimension_semantics<subcore_parallel>], iteration_bounds = array<i64: 2, 16>, scalar_prefetch = 0 : i64, scratch_operands = 6 : i64, tpu.core_type = #tpu.core_type<sc_vector_subcore>, window_params = [{transform_indices = #map}, {transform_indices = #map1}, {transform_indices = #map1}, {transform_indices = #map1}]} {
    %mul3A = arith.constant 16 : i32
    %mul3A_0 = arith.muli %arg0, %mul3A : i32
    %add3A = arith.addi %mul3A_0, %arg1 : i32
    %broadcast_in_dim3A = arith.constant 0.000000e+00 : f32
    %broadcast_in_dim3A_1 = vector.broadcast %broadcast_in_dim3A : f32 to vector<16xf32>
    %scan3A = arith.constant 0 : i32
    %scan3A_2 = arith.constant 0 : i32
    %scan3A_3 = arith.constant 128 : i32
    %scan3A_4 = arith.addi %scan3A_2, %scan3A_3 : i32
    %scan3A_5 = arith.constant 1 : i32
    scf.for %scan3A_80 = %scan3A_2 to %scan3A_4 step %scan3A_5  : i32 {
      %swap3A = arith.constant 0 : i32
      %swap3A_81 = arith.index_cast %swap3A : i32 to index
      %swap3A_82 = arith.index_cast %scan3A_80 : i32 to index
      %swap3A_83 = arith.constant 0 : index
      %swap3A_84 = tpu.vector_load %arg9[%swap3A_81, %swap3A_82, %swap3A_83] {strides = array<i32>} : memref<2x128x128xf32, #tpu.memory_space<vmem>>, vector<1x1x16xf32>,
      %swap3A_85 = vector.shape_cast %swap3A_84 : vector<1x1x16xf32> to vector<16xf32>
      %swap3A_86 = vector.shape_cast %broadcast_in_dim3A_1 : vector<16xf32> to vector<1x1x16xf32>
      tpu.vector_store %arg9[%swap3A_81, %swap3A_82, %swap3A_83], %swap3A_86 {strides = array<i32>} : memref<2x128x128xf32, #tpu.memory_space<vmem>>, vector<1x1x16xf32>,
      %swap3A_87 = arith.constant 0 : i32
      %swap3A_88 = arith.index_cast %swap3A_87 : i32 to index
      %swap3A_89 = arith.index_cast %scan3A_80 : i32 to index
      %swap3A_90 = arith.constant 16 : index
      %swap3A_91 = tpu.vector_load %arg9[%swap3A_88, %swap3A_89, %swap3A_90] {strides = array<i32>} : memref<2x128x128xf32, #tpu.memory_space<vmem>>, vector<1x1x16xf32>,
      %swap3A_92 = vector.shape_cast %swap3A_91 : vector<1x1x16xf32> to vector<16xf32>
      %swap3A_93 = vector.shape_cast %broadcast_in_dim3A_1 : vector<16xf32> to vector<1x1x16xf32>
      tpu.vector_store %arg9[%swap3A_88, %swap3A_89, %swap3A_90], %swap3A_93 {strides = array<i32>} : memref<2x128x128xf32, #tpu.memory_space<vmem>>, vector<1x1x16xf32>,
      %swap3A_94 = arith.constant 0 : i32
      %swap3A_95 = arith.index_cast %swap3A_94 : i32 to index
      %swap3A_96 = arith.index_cast %scan3A_80 : i32 to index
      %swap3A_97 = arith.constant 32 : index
      %swap3A_98 = tpu.vector_load %arg9[%swap3A_95, %swap3A_96, %swap3A_97] {strides = array<i32>} : memref<2x128x128xf32, #tpu.memory_space<vmem>>, vector<1x1x16xf32>,
      %swap3A_99 = vector.shape_cast %swap3A_98 : vector<1x1x16xf32> to vector<16xf32>
      %swap3A_100 = vector.shape_cast %broadcast_in_dim3A_1 : vector<16xf32> to vector<1x1x16xf32>
      tpu.vector_store %arg9[%swap3A_95, %swap3A_96, %swap3A_97], %swap3A_100 {strides = array<i32>} : memref<2x128x128xf32, #tpu.memory_space<vmem>>, vector<1x1x16xf32>,
      %swap3A_101 = arith.constant 0 : i32
      %swap3A_102 = arith.index_cast %swap3A_101 : i32 to index
      %swap3A_103 = arith.index_cast %scan3A_80 : i32 to index
      %swap3A_104 = arith.constant 48 : index
      %swap3A_105 = tpu.vector_load %arg9[%swap3A_102, %swap3A_103, %swap3A_104] {strides = array<i32>} : memref<2x128x128xf32, #tpu.memory_space<vmem>>, vector<1x1x16xf32>,
      %swap3A_106 = vector.shape_cast %swap3A_105 : vector<1x1x16xf32> to vector<16xf32>
      %swap3A_107 = vector.shape_cast %broadcast_in_dim3A_1 : vector<16xf32> to vector<1x1x16xf32>
      tpu.vector_store %arg9[%swap3A_102, %swap3A_103, %swap3A_104], %swap3A_107 {strides = array<i32>} : memref<2x128x128xf32, #tpu.memory_space<vmem>>, vector<1x1x16xf32>,
      %swap3A_108 = arith.constant 0 : i32
      %swap3A_109 = arith.index_cast %swap3A_108 : i32 to index
      %swap3A_110 = arith.index_cast %scan3A_80 : i32 to index
      %swap3A_111 = arith.constant 64 : index
      %swap3A_112 = tpu.vector_load %arg9[%swap3A_109, %swap3A_110, %swap3A_111] {strides = array<i32>} : memref<2x128x128xf32, #tpu.memory_space<vmem>>, vector<1x1x16xf32>,
      %swap3A_113 = vector.shape_cast %swap3A_112 : vector<1x1x16xf32> to vector<16xf32>
      %swap3A_114 = vector.shape_cast %broadcast_in_dim3A_1 : vector<16xf32> to vector<1x1x16xf32>
      tpu.vector_store %arg9[%swap3A_109, %swap3A_110, %swap3A_111], %swap3A_114 {strides = array<i32>} : memref<2x128x128xf32, #tpu.memory_space<vmem>>, vector<1x1x16xf32>,
      %swap3A_115 = arith.constant 0 : i32
      %swap3A_116 = arith.index_cast %swap3A_115 : i32 to index
      %swap3A_117 = arith.index_cast %scan3A_80 : i32 to index
      %swap3A_118 = arith.constant 80 : index
      %swap3A_119 = tpu.vector_load %arg9[%swap3A_116, %swap3A_117, %swap3A_118] {strides = array<i32>} : memref<2x128x128xf32, #tpu.memory_space<vmem>>, vector<1x1x16xf32>,
      %swap3A_120 = vector.shape_cast %swap3A_119 : vector<1x1x16xf32> to vector<16xf32>
      %swap3A_121 = vector.shape_cast %broadcast_in_dim3A_1 : vector<16xf32> to vector<1x1x16xf32>
      tpu.vector_store %arg9[%swap3A_116, %swap3A_117, %swap3A_118], %swap3A_121 {strides = array<i32>} : memref<2x128x128xf32, #tpu.memory_space<vmem>>, vector<1x1x16xf32>,
      %swap3A_122 = arith.constant 0 : i32
      %swap3A_123 = arith.index_cast %swap3A_122 : i32 to index
      %swap3A_124 = arith.index_cast %scan3A_80 : i32 to index
      %swap3A_125 = arith.constant 96 : index
      %swap3A_126 = tpu.vector_load %arg9[%swap3A_123, %swap3A_124, %swap3A_125] {strides = array<i32>} : memref<2x128x128xf32, #tpu.memory_space<vmem>>, vector<1x1x16xf32>,
      %swap3A_127 = vector.shape_cast %swap3A_126 : vector<1x1x16xf32> to vector<16xf32>
      %swap3A_128 = vector.shape_cast %broadcast_in_dim3A_1 : vector<16xf32> to vector<1x1x16xf32>
      tpu.vector_store %arg9[%swap3A_123, %swap3A_124, %swap3A_125], %swap3A_128 {strides = array<i32>} : memref<2x128x128xf32, #tpu.memory_space<vmem>>, vector<1x1x16xf32>,
      %swap3A_129 = arith.constant 0 : i32
      %swap3A_130 = arith.index_cast %swap3A_129 : i32 to index
      %swap3A_131 = arith.index_cast %scan3A_80 : i32 to index
      %swap3A_132 = arith.constant 112 : index
      %swap3A_133 = tpu.vector_load %arg9[%swap3A_130, %swap3A_131, %swap3A_132] {strides = array<i32>} : memref<2x128x128xf32, #tpu.memory_space<vmem>>, vector<1x1x16xf32>,
      %swap3A_134 = vector.shape_cast %swap3A_133 : vector<1x1x16xf32> to vector<16xf32>
      %swap3A_135 = vector.shape_cast %broadcast_in_dim3A_1 : vector<16xf32> to vector<1x1x16xf32>
      tpu.vector_store %arg9[%swap3A_130, %swap3A_131, %swap3A_132], %swap3A_135 {strides = array<i32>} : memref<2x128x128xf32, #tpu.memory_space<vmem>>, vector<1x1x16xf32>,
    }
    %scan3A_6 = arith.constant 128 : i32
    %scan3A_7 = arith.constant 0 : i32
    %scan3A_8 = arith.constant 0 : i32
    %scan3A_9 = arith.constant 4 : i32
    %scan3A_10 = arith.addi %scan3A_8, %scan3A_9 : i32
    %scan3A_11 = arith.constant 1 : i32
    scf.for %scan3A_80 = %scan3A_8 to %scan3A_10 step %scan3A_11  : i32 {
      %mul3A_81 = arith.constant 632 : i32
      %mul3A_82 = arith.muli %arg1, %mul3A_81 : i32
      %mul3A_83 = arith.constant 128 : i32
      %mul3A_84 = arith.muli %scan3A_80, %mul3A_83 : i32
      %add3A_85 = arith.addi %mul3A_82, %mul3A_84 : i32
      %run_scoped3A_86 = arith.constant 0 : i32
      "tpu.region"() ({
        %run_scoped3A_87 = tpu.sem_alloc : memref<!tpu.dma_semaphore, #tpu.memory_space<semaphore_mem>>
        %dma_start3A_88 = arith.constant 0 : i32
        %dma_start3A_89 = arith.constant 0 : i32
        %dma_start3A_90 = tpu.memref_slice %arg9[%run_scoped3A_86, %dma_start3A_88, %dma_start3A_89] : memref<2x128x128xf32, #tpu.memory_space<vmem>> -> memref<1x128x128xf32, #tpu.memory_space<vmem>>
        %dma_start3A_91 = tpu.memref_squeeze %dma_start3A_90 : memref<1x128x128xf32, #tpu.memory_space<vmem>> -> memref<128x128xf32, #tpu.memory_space<vmem>>
        %dma_start3A_92 = arith.constant 0 : i32
        %dma_start3A_93 = tpu.memref_slice %arg6[%add3A_85, %dma_start3A_92] : memref<10112x128xf32, #tpu.memory_space<vmem_shared>> -> memref<128x128xf32, #tpu.memory_space<vmem_shared>>
        %dma_start3A_94 = arith.constant 0 : i32
        %dma_start3A_95 = tpu.memref_slice %arg6[%add3A_85, %dma_start3A_94] : memref<10112x128xf32, #tpu.memory_space<vmem_shared>> -> memref<128x128xf32, #tpu.memory_space<vmem_shared>>
        %dma_start3A_96 = arith.constant 0 : i32
        %dma_start3A_97 = arith.constant 0 : i32
        %dma_start3A_98 = tpu.memref_slice %arg9[%run_scoped3A_86, %dma_start3A_96, %dma_start3A_97] : memref<2x128x128xf32, #tpu.memory_space<vmem>> -> memref<1x128x128xf32, #tpu.memory_space<vmem>>
        %dma_start3A_99 = tpu.memref_squeeze %dma_start3A_98 : memref<1x128x128xf32, #tpu.memory_space<vmem>> -> memref<128x128xf32, #tpu.memory_space<vmem>>
        tpu.enqueue_dma source(%dma_start3A_99 : memref<128x128xf32, #tpu.memory_space<vmem>>) target(%dma_start3A_95 : memref<128x128xf32, #tpu.memory_space<vmem_shared>>) target_semaphore(%run_scoped3A_87 : memref<!tpu.dma_semaphore, #tpu.memory_space<semaphore_mem>>)
        %dma_wait3A_100 = arith.constant 0 : i32
        %dma_wait3A_101 = arith.constant 0 : i32
        %dma_wait3A_102 = tpu.memref_slice %arg9[%run_scoped3A_86, %dma_wait3A_100, %dma_wait3A_101] : memref<2x128x128xf32, #tpu.memory_space<vmem>> -> memref<1x128x128xf32, #tpu.memory_space<vmem>>
        %dma_wait3A_103 = tpu.memref_squeeze %dma_wait3A_102 : memref<1x128x128xf32, #tpu.memory_space<vmem>> -> memref<128x128xf32, #tpu.memory_space<vmem>>
        %dma_wait3A_104 = arith.constant 0 : i32
        %dma_wait3A_105 = tpu.memref_slice %arg6[%add3A_85, %dma_wait3A_104] : memref<10112x128xf32, #tpu.memory_space<vmem_shared>> -> memref<128x128xf32, #tpu.memory_space<vmem_shared>>
        %dma_wait3A_106 = arith.constant 0 : i32
        %dma_wait3A_107 = tpu.memref_slice %arg6[%add3A_85, %dma_wait3A_106] : memref<10112x128xf32, #tpu.memory_space<vmem_shared>> -> memref<128x128xf32, #tpu.memory_space<vmem_shared>>
        %dma_wait3A_108 = arith.constant 0 : i32
        %dma_wait3A_109 = arith.constant 0 : i32
        %dma_wait3A_110 = tpu.memref_slice %arg9[%run_scoped3A_86, %dma_wait3A_108, %dma_wait3A_109] : memref<2x128x128xf32, #tpu.memory_space<vmem>> -> memref<1x128x128xf32, #tpu.memory_space<vmem>>
        %dma_wait3A_111 = tpu.memref_squeeze %dma_wait3A_110 : memref<1x128x128xf32, #tpu.memory_space<vmem>> -> memref<128x128xf32, #tpu.memory_space<vmem>>
        tpu.wait_dma2 semaphore(%run_scoped3A_87 : memref<!tpu.dma_semaphore, #tpu.memory_space<semaphore_mem>>) src(%dma_wait3A_111 : memref<128x128xf32, #tpu.memory_space<vmem>>) dst(%dma_wait3A_107 : memref<128x128xf32, #tpu.memory_space<vmem_shared>>)
        tpu.yield
      }) : () -> ()
    }
    %scan3A_12 = arith.constant 4 : i32
    %mul3A_13 = arith.constant 632 : i32
    %mul3A_14 = arith.muli %arg1, %mul3A_13 : i32
    %add3A_15 = arith.constant 512 : i32
    %add3A_16 = arith.addi %mul3A_14, %add3A_15 : i32
    %run_scoped3A = arith.constant 0 : i32
    "tpu.region"() ({
      %run_scoped3A_80 = tpu.sem_alloc : memref<!tpu.dma_semaphore, #tpu.memory_space<semaphore_mem>>
      %dma_start3A_81 = arith.constant 0 : i32
      %dma_start3A_82 = arith.constant 0 : i32
      %dma_start3A_83 = tpu.memref_slice %arg9[%run_scoped3A, %dma_start3A_81, %dma_start3A_82] : memref<2x128x128xf32, #tpu.memory_space<vmem>> -> memref<1x120x128xf32, #tpu.memory_space<vmem>>
      %dma_start3A_84 = tpu.memref_squeeze %dma_start3A_83 : memref<1x120x128xf32, #tpu.memory_space<vmem>> -> memref<120x128xf32, #tpu.memory_space<vmem>>
      %dma_start3A_85 = arith.constant 0 : i32
      %dma_start3A_86 = tpu.memref_slice %arg6[%add3A_16, %dma_start3A_85] : memref<10112x128xf32, #tpu.memory_space<vmem_shared>> -> memref<120x128xf32, #tpu.memory_space<vmem_shared>>
      %dma_start3A_87 = arith.constant 0 : i32
      %dma_start3A_88 = tpu.memref_slice %arg6[%add3A_16, %dma_start3A_87] : memref<10112x128xf32, #tpu.memory_space<vmem_shared>> -> memref<120x128xf32, #tpu.memory_space<vmem_shared>>
      %dma_start3A_89 = arith.constant 0 : i32
      %dma_start3A_90 = arith.constant 0 : i32
      %dma_start3A_91 = tpu.memref_slice %arg9[%run_scoped3A, %dma_start3A_89, %dma_start3A_90] : memref<2x128x128xf32, #tpu.memory_space<vmem>> -> memref<1x120x128xf32, #tpu.memory_space<vmem>>
      %dma_start3A_92 = tpu.memref_squeeze %dma_start3A_91 : memref<1x120x128xf32, #tpu.memory_space<vmem>> -> memref<120x128xf32, #tpu.memory_space<vmem>>
      tpu.enqueue_dma source(%dma_start3A_92 : memref<120x128xf32, #tpu.memory_space<vmem>>) target(%dma_start3A_88 : memref<120x128xf32, #tpu.memory_space<vmem_shared>>) target_semaphore(%run_scoped3A_80 : memref<!tpu.dma_semaphore, #tpu.memory_space<semaphore_mem>>)
      %dma_wait3A_93 = arith.constant 0 : i32
      %dma_wait3A_94 = arith.constant 0 : i32
      %dma_wait3A_95 = tpu.memref_slice %arg9[%run_scoped3A, %dma_wait3A_93, %dma_wait3A_94] : memref<2x128x128xf32, #tpu.memory_space<vmem>> -> memref<1x120x128xf32, #tpu.memory_space<vmem>>
      %dma_wait3A_96 = tpu.memref_squeeze %dma_wait3A_95 : memref<1x120x128xf32, #tpu.memory_space<vmem>> -> memref<120x128xf32, #tpu.memory_space<vmem>>
      %dma_wait3A_97 = arith.constant 0 : i32
      %dma_wait3A_98 = tpu.memref_slice %arg6[%add3A_16, %dma_wait3A_97] : memref<10112x128xf32, #tpu.memory_space<vmem_shared>> -> memref<120x128xf32, #tpu.memory_space<vmem_shared>>
      %dma_wait3A_99 = arith.constant 0 : i32
      %dma_wait3A_100 = tpu.memref_slice %arg6[%add3A_16, %dma_wait3A_99] : memref<10112x128xf32, #tpu.memory_space<vmem_shared>> -> memref<120x128xf32, #tpu.memory_space<vmem_shared>>
      %dma_wait3A_101 = arith.constant 0 : i32
      %dma_wait3A_102 = arith.constant 0 : i32
      %dma_wait3A_103 = tpu.memref_slice %arg9[%run_scoped3A, %dma_wait3A_101, %dma_wait3A_102] : memref<2x128x128xf32, #tpu.memory_space<vmem>> -> memref<1x120x128xf32, #tpu.memory_space<vmem>>
      %dma_wait3A_104 = tpu.memref_squeeze %dma_wait3A_103 : memref<1x120x128xf32, #tpu.memory_space<vmem>> -> memref<120x128xf32, #tpu.memory_space<vmem>>
      tpu.wait_dma2 semaphore(%run_scoped3A_80 : memref<!tpu.dma_semaphore, #tpu.memory_space<semaphore_mem>>) src(%dma_wait3A_104 : memref<120x128xf32, #tpu.memory_space<vmem>>) dst(%dma_wait3A_100 : memref<120x128xf32, #tpu.memory_space<vmem_shared>>)
      tpu.yield
    }) : () -> ()
    "tpu.region"() ({
      %run_scoped3A_80 = tpu.sem_alloc : memref<!tpu.dma_semaphore, #tpu.memory_space<semaphore_mem>>
      %dma_start3A_81 = arith.constant 0 : i32
      %dma_start3A_82 = arith.constant 0 : i32
      %dma_start3A_83 = tpu.memref_slice %arg3[%add3A, %dma_start3A_81, %dma_start3A_82] : memref<32x80x128xi32, #tpu.memory_space<hbm>> -> memref<1x80x128xi32, #tpu.memory_space<hbm>>
      %dma_start3A_84 = tpu.memref_squeeze %dma_start3A_83 : memref<1x80x128xi32, #tpu.memory_space<hbm>> -> memref<80x128xi32, #tpu.memory_space<hbm>>
      %dma_start3A_85 = arith.constant 0 : i32
      %dma_start3A_86 = arith.constant 0 : i32
      %dma_start3A_87 = tpu.memref_slice %arg3[%add3A, %dma_start3A_85, %dma_start3A_86] : memref<32x80x128xi32, #tpu.memory_space<hbm>> -> memref<1x80x128xi32, #tpu.memory_space<hbm>>
      %dma_start3A_88 = tpu.memref_squeeze %dma_start3A_87 : memref<1x80x128xi32, #tpu.memory_space<hbm>> -> memref<80x128xi32, #tpu.memory_space<hbm>>
      tpu.enqueue_dma source(%dma_start3A_88 : memref<80x128xi32, #tpu.memory_space<hbm>>) target(%arg7 : memref<80x128xi32, #tpu.memory_space<vmem>>) target_semaphore(%run_scoped3A_80 : memref<!tpu.dma_semaphore, #tpu.memory_space<semaphore_mem>>)
      %dma_wait3A_89 = arith.constant 0 : i32
      %dma_wait3A_90 = arith.constant 0 : i32
      %dma_wait3A_91 = tpu.memref_slice %arg3[%add3A, %dma_wait3A_89, %dma_wait3A_90] : memref<32x80x128xi32, #tpu.memory_space<hbm>> -> memref<1x80x128xi32, #tpu.memory_space<hbm>>
      %dma_wait3A_92 = tpu.memref_squeeze %dma_wait3A_91 : memref<1x80x128xi32, #tpu.memory_space<hbm>> -> memref<80x128xi32, #tpu.memory_space<hbm>>
      %dma_wait3A_93 = arith.constant 0 : i32
      %dma_wait3A_94 = arith.constant 0 : i32
      %dma_wait3A_95 = tpu.memref_slice %arg3[%add3A, %dma_wait3A_93, %dma_wait3A_94] : memref<32x80x128xi32, #tpu.memory_space<hbm>> -> memref<1x80x128xi32, #tpu.memory_space<hbm>>
      %dma_wait3A_96 = tpu.memref_squeeze %dma_wait3A_95 : memref<1x80x128xi32, #tpu.memory_space<hbm>> -> memref<80x128xi32, #tpu.memory_space<hbm>>
      tpu.wait_dma2 semaphore(%run_scoped3A_80 : memref<!tpu.dma_semaphore, #tpu.memory_space<semaphore_mem>>) src(%dma_wait3A_96 : memref<80x128xi32, #tpu.memory_space<hbm>>) dst(%arg7 : memref<80x128xi32, #tpu.memory_space<vmem>>)
      tpu.yield
    }) : () -> ()
    %barrier3A = arith.constant 0 : index
    tpu.barrier barrier_id(%barrier3A)
    "tpu.region"() ({
      %run_scoped3A_80 = tpu.sem_alloc : memref<!tpu.dma_semaphore, #tpu.memory_space<semaphore_mem>>
      %dma_start3A_81 = arith.constant 0 : i32
      %dma_start3A_82 = arith.constant 0 : i32
      %dma_start3A_83 = tpu.memref_slice %arg4[%add3A, %dma_start3A_81, %dma_start3A_82] : memref<32x80x128xi32, #tpu.memory_space<hbm>> -> memref<1x40x128xi32, #tpu.memory_space<hbm>>
      %dma_start3A_84 = tpu.memref_squeeze %dma_start3A_83 : memref<1x40x128xi32, #tpu.memory_space<hbm>> -> memref<40x128xi32, #tpu.memory_space<hbm>>
      %dma_start3A_85 = arith.constant 0 : i32
      %dma_start3A_86 = arith.constant 0 : i32
      %dma_start3A_87 = tpu.memref_slice %arg4[%add3A, %dma_start3A_85, %dma_start3A_86] : memref<32x80x128xi32, #tpu.memory_space<hbm>> -> memref<1x40x128xi32, #tpu.memory_space<hbm>>
      %dma_start3A_88 = tpu.memref_squeeze %dma_start3A_87 : memref<1x40x128xi32, #tpu.memory_space<hbm>> -> memref<40x128xi32, #tpu.memory_space<hbm>>
      tpu.enqueue_dma source(%dma_start3A_88 : memref<40x128xi32, #tpu.memory_space<hbm>>) target(%arg8 : memref<40x128xi32, #tpu.memory_space<vmem>>) target_semaphore(%run_scoped3A_80 : memref<!tpu.dma_semaphore, #tpu.memory_space<semaphore_mem>>)
      %dma_wait3A_89 = arith.constant 0 : i32
      %dma_wait3A_90 = arith.constant 0 : i32
      %dma_wait3A_91 = tpu.memref_slice %arg4[%add3A, %dma_wait3A_89, %dma_wait3A_90] : memref<32x80x128xi32, #tpu.memory_space<hbm>> -> memref<1x40x128xi32, #tpu.memory_space<hbm>>
      %dma_wait3A_92 = tpu.memref_squeeze %dma_wait3A_91 : memref<1x40x128xi32, #tpu.memory_space<hbm>> -> memref<40x128xi32, #tpu.memory_space<hbm>>
      %dma_wait3A_93 = arith.constant 0 : i32
      %dma_wait3A_94 = arith.constant 0 : i32
      %dma_wait3A_95 = tpu.memref_slice %arg4[%add3A, %dma_wait3A_93, %dma_wait3A_94] : memref<32x80x128xi32, #tpu.memory_space<hbm>> -> memref<1x40x128xi32, #tpu.memory_space<hbm>>
      %dma_wait3A_96 = tpu.memref_squeeze %dma_wait3A_95 : memref<1x40x128xi32, #tpu.memory_space<hbm>> -> memref<40x128xi32, #tpu.memory_space<hbm>>
      tpu.wait_dma2 semaphore(%run_scoped3A_80 : memref<!tpu.dma_semaphore, #tpu.memory_space<semaphore_mem>>) src(%dma_wait3A_96 : memref<40x128xi32, #tpu.memory_space<hbm>>) dst(%arg8 : memref<40x128xi32, #tpu.memory_space<vmem>>)
      tpu.yield
    }) : () -> ()
    %dma_start3A = arith.constant 0 : i32
    %dma_start3A_17 = arith.constant 0 : i32
    %dma_start3A_18 = arith.constant 0 : i32
    %dma_start3A_19 = arith.constant 0 : i32
    %dma_start3A_20 = tpu.memref_slice %arg9[%dma_start3A_17, %dma_start3A_18, %dma_start3A_19] : memref<2x128x128xf32, #tpu.memory_space<vmem>> -> memref<1x128x128xf32, #tpu.memory_space<vmem>>
    %dma_start3A_21 = tpu.memref_squeeze %dma_start3A_20 : memref<1x128x128xf32, #tpu.memory_space<vmem>> -> memref<128x128xf32, #tpu.memory_space<vmem>>
    %dma_start3A_22 = arith.constant 0 : i32
    %dma_start3A_23 = tpu.memref_slice %arg7[%dma_start3A, %dma_start3A_22] : memref<80x128xi32, #tpu.memory_space<vmem>> -> memref<1x128xi32, #tpu.memory_space<vmem>>
    %dma_start3A_24 = tpu.memref_squeeze %dma_start3A_23 : memref<1x128xi32, #tpu.memory_space<vmem>> -> memref<128xi32, #tpu.memory_space<vmem>>
    %dma_start3A_25 = arith.constant 0 : i32
    %dma_start3A_26 = arith.constant 0 : i32
    %dma_start3A_27 = tpu.memref_slice %arg2[%dma_start3A_25, %dma_start3A_26] : memref<10000x128xf32, #tpu.memory_space<hbm>> -> memref<10000x128xf32, #tpu.memory_space<hbm>>
    tpu.enqueue_indirect_dma source(%dma_start3A_27 : memref<10000x128xf32, #tpu.memory_space<hbm>>) target(%dma_start3A_21 : memref<128x128xf32, #tpu.memory_space<vmem>>) offsets(%dma_start3A_24 : memref<128xi32, #tpu.memory_space<vmem>>) semaphore(%arg10 : memref<!tpu.dma_semaphore, #tpu.memory_space<semaphore_mem>>)
    %scan3A_28 = arith.constant 0 : i32
    %scan3A_29 = arith.constant 0 : i32
    %scan3A_30 = arith.constant 20 : i32
    %scan3A_31 = arith.addi %scan3A_29, %scan3A_30 : i32
    %scan3A_32 = arith.constant 1 : i32
    scf.for %scan3A_80 = %scan3A_29 to %scan3A_31 step %scan3A_32  : i32 {
      %mul3A_81 = arith.constant 2 : i32
      %mul3A_82 = arith.muli %mul3A_81, %scan3A_80 : i32
      %add3A_83 = arith.constant 0 : i32
      %add3A_84 = arith.addi %add3A_83, %mul3A_82 : i32
      %mul3A_85 = arith.constant 2 : i32
      %mul3A_86 = arith.muli %mul3A_85, %scan3A_80 : i32
      %dma_wait3A_87 = arith.constant 0 : i32
      %dma_wait3A_88 = arith.constant 0 : i32
      %dma_wait3A_89 = arith.constant 0 : i32
      %dma_wait3A_90 = arith.constant 0 : i32
      %dma_wait3A_91 = tpu.memref_slice %arg9[%dma_wait3A_88, %dma_wait3A_89, %dma_wait3A_90] : memref<2x128x128xf32, #tpu.memory_space<vmem>> -> memref<1x128x128xf32, #tpu.memory_space<vmem>>
      %dma_wait3A_92 = tpu.memref_squeeze %dma_wait3A_91 : memref<1x128x128xf32, #tpu.memory_space<vmem>> -> memref<128x128xf32, #tpu.memory_space<vmem>>
      %dma_wait3A_93 = arith.constant 0 : i32
      %dma_wait3A_94 = tpu.memref_slice %arg7[%dma_wait3A_87, %dma_wait3A_93] : memref<80x128xi32, #tpu.memory_space<vmem>> -> memref<1x128xi32, #tpu.memory_space<vmem>>
      %dma_wait3A_95 = tpu.memref_squeeze %dma_wait3A_94 : memref<1x128xi32, #tpu.memory_space<vmem>> -> memref<128xi32, #tpu.memory_space<vmem>>
      %dma_wait3A_96 = arith.constant 0 : i32
      %dma_wait3A_97 = arith.constant 0 : i32
      %dma_wait3A_98 = tpu.memref_slice %arg2[%dma_wait3A_96, %dma_wait3A_97] : memref<10000x128xf32, #tpu.memory_space<hbm>> -> memref<10000x128xf32, #tpu.memory_space<hbm>>
      tpu.wait_indirect_dma semaphore(%arg10 : memref<!tpu.dma_semaphore, #tpu.memory_space<semaphore_mem>>) src(%dma_wait3A_98 : memref<10000x128xf32, #tpu.memory_space<hbm>>) dst(%dma_wait3A_92 : memref<128x128xf32, #tpu.memory_space<vmem>>)
      %add3A_99 = arith.constant 1 : i32
      %add3A_100 = arith.addi %add3A_84, %add3A_99 : i32
      %dma_start3A_101 = arith.constant 1 : i32
      %dma_start3A_102 = arith.constant 0 : i32
      %dma_start3A_103 = arith.constant 0 : i32
      %dma_start3A_104 = tpu.memref_slice %arg9[%dma_start3A_101, %dma_start3A_102, %dma_start3A_103] : memref<2x128x128xf32, #tpu.memory_space<vmem>> -> memref<1x128x128xf32, #tpu.memory_space<vmem>>
      %dma_start3A_105 = tpu.memref_squeeze %dma_start3A_104 : memref<1x128x128xf32, #tpu.memory_space<vmem>> -> memref<128x128xf32, #tpu.memory_space<vmem>>
      %dma_start3A_106 = arith.constant 0 : i32
      %dma_start3A_107 = tpu.memref_slice %arg7[%add3A_100, %dma_start3A_106] : memref<80x128xi32, #tpu.memory_space<vmem>> -> memref<1x128xi32, #tpu.memory_space<vmem>>
      %dma_start3A_108 = tpu.memref_squeeze %dma_start3A_107 : memref<1x128xi32, #tpu.memory_space<vmem>> -> memref<128xi32, #tpu.memory_space<vmem>>
      %dma_start3A_109 = arith.constant 0 : i32
      %dma_start3A_110 = arith.constant 0 : i32
      %dma_start3A_111 = tpu.memref_slice %arg2[%dma_start3A_109, %dma_start3A_110] : memref<10000x128xf32, #tpu.memory_space<hbm>> -> memref<10000x128xf32, #tpu.memory_space<hbm>>
      tpu.enqueue_indirect_dma source(%dma_start3A_111 : memref<10000x128xf32, #tpu.memory_space<hbm>>) target(%dma_start3A_105 : memref<128x128xf32, #tpu.memory_space<vmem>>) offsets(%dma_start3A_108 : memref<128xi32, #tpu.memory_space<vmem>>) semaphore(%arg11 : memref<!tpu.dma_semaphore, #tpu.memory_space<semaphore_mem>>)
      %run_scoped3A_112 = arith.constant 0 : i32
      "tpu.region"() ({
        %run_scoped3A_142 = tpu.sem_alloc : memref<!tpu.dma_semaphore, #tpu.memory_space<semaphore_mem>>
        %dma_start3A_143 = arith.constant 0 : i32
        %dma_start3A_144 = arith.constant 0 : i32
        %dma_start3A_145 = tpu.memref_slice %arg9[%run_scoped3A_112, %dma_start3A_143, %dma_start3A_144] : memref<2x128x128xf32, #tpu.memory_space<vmem>> -> memref<1x128x128xf32, #tpu.memory_space<vmem>>
        %dma_start3A_146 = tpu.memref_squeeze %dma_start3A_145 : memref<1x128x128xf32, #tpu.memory_space<vmem>> -> memref<128x128xf32, #tpu.memory_space<vmem>>
        %dma_start3A_147 = arith.constant 0 : i32
        %dma_start3A_148 = tpu.memref_slice %arg8[%mul3A_86, %dma_start3A_147] : memref<40x128xi32, #tpu.memory_space<vmem>> -> memref<1x128xi32, #tpu.memory_space<vmem>>
        %dma_start3A_149 = tpu.memref_squeeze %dma_start3A_148 : memref<1x128xi32, #tpu.memory_space<vmem>> -> memref<128xi32, #tpu.memory_space<vmem>>
        %dma_start3A_150 = arith.constant 0 : i32
        %dma_start3A_151 = arith.constant 0 : i32
        %dma_start3A_152 = tpu.memref_slice %arg6[%dma_start3A_150, %dma_start3A_151] : memref<10112x128xf32, #tpu.memory_space<vmem_shared>> -> memref<10112x128xf32, #tpu.memory_space<vmem_shared>>
        tpu.enqueue_indirect_dma source(%dma_start3A_146 : memref<128x128xf32, #tpu.memory_space<vmem>>) target(%dma_start3A_152 : memref<10112x128xf32, #tpu.memory_space<vmem_shared>>) offsets(%dma_start3A_149 : memref<128xi32, #tpu.memory_space<vmem>>) semaphore(%run_scoped3A_142 : memref<!tpu.dma_semaphore, #tpu.memory_space<semaphore_mem>>) {add = true}
        %dma_wait3A_153 = arith.constant 0 : i32
        %dma_wait3A_154 = arith.constant 0 : i32
        %dma_wait3A_155 = tpu.memref_slice %arg9[%run_scoped3A_112, %dma_wait3A_153, %dma_wait3A_154] : memref<2x128x128xf32, #tpu.memory_space<vmem>> -> memref<1x128x128xf32, #tpu.memory_space<vmem>>
        %dma_wait3A_156 = tpu.memref_squeeze %dma_wait3A_155 : memref<1x128x128xf32, #tpu.memory_space<vmem>> -> memref<128x128xf32, #tpu.memory_space<vmem>>
        %dma_wait3A_157 = arith.constant 0 : i32
        %dma_wait3A_158 = tpu.memref_slice %arg8[%mul3A_86, %dma_wait3A_157] : memref<40x128xi32, #tpu.memory_space<vmem>> -> memref<1x128xi32, #tpu.memory_space<vmem>>
        %dma_wait3A_159 = tpu.memref_squeeze %dma_wait3A_158 : memref<1x128xi32, #tpu.memory_space<vmem>> -> memref<128xi32, #tpu.memory_space<vmem>>
        %dma_wait3A_160 = arith.constant 0 : i32
        %dma_wait3A_161 = arith.constant 0 : i32
        %dma_wait3A_162 = tpu.memref_slice %arg6[%dma_wait3A_160, %dma_wait3A_161] : memref<10112x128xf32, #tpu.memory_space<vmem_shared>> -> memref<10112x128xf32, #tpu.memory_space<vmem_shared>>
        tpu.wait_indirect_dma semaphore(%run_scoped3A_142 : memref<!tpu.dma_semaphore, #tpu.memory_space<semaphore_mem>>) src(%dma_wait3A_156 : memref<128x128xf32, #tpu.memory_space<vmem>>) dst(%dma_wait3A_162 : memref<10112x128xf32, #tpu.memory_space<vmem_shared>>)
        tpu.yield
      }) : () -> ()
      %dma_wait3A_113 = arith.constant 0 : i32
      %dma_wait3A_114 = arith.constant 1 : i32
      %dma_wait3A_115 = arith.constant 0 : i32
      %dma_wait3A_116 = arith.constant 0 : i32
      %dma_wait3A_117 = tpu.memref_slice %arg9[%dma_wait3A_114, %dma_wait3A_115, %dma_wait3A_116] : memref<2x128x128xf32, #tpu.memory_space<vmem>> -> memref<1x128x128xf32, #tpu.memory_space<vmem>>
      %dma_wait3A_118 = tpu.memref_squeeze %dma_wait3A_117 : memref<1x128x128xf32, #tpu.memory_space<vmem>> -> memref<128x128xf32, #tpu.memory_space<vmem>>
      %dma_wait3A_119 = arith.constant 0 : i32
      %dma_wait3A_120 = tpu.memref_slice %arg7[%dma_wait3A_113, %dma_wait3A_119] : memref<80x128xi32, #tpu.memory_space<vmem>> -> memref<1x128xi32, #tpu.memory_space<vmem>>
      %dma_wait3A_121 = tpu.memref_squeeze %dma_wait3A_120 : memref<1x128xi32, #tpu.memory_space<vmem>> -> memref<128xi32, #tpu.memory_space<vmem>>
      %dma_wait3A_122 = arith.constant 0 : i32
      %dma_wait3A_123 = arith.constant 0 : i32
      %dma_wait3A_124 = tpu.memref_slice %arg2[%dma_wait3A_122, %dma_wait3A_123] : memref<10000x128xf32, #tpu.memory_space<hbm>> -> memref<10000x128xf32, #tpu.memory_space<hbm>>
      tpu.wait_indirect_dma semaphore(%arg11 : memref<!tpu.dma_semaphore, #tpu.memory_space<semaphore_mem>>) src(%dma_wait3A_124 : memref<10000x128xf32, #tpu.memory_space<hbm>>) dst(%dma_wait3A_118 : memref<128x128xf32, #tpu.memory_space<vmem>>)
      %add3A_125 = arith.constant 2 : i32
      %add3A_126 = arith.addi %add3A_84, %add3A_125 : i32
      %min3A = arith.constant 79 : i32
      %min3A_127 = arith.minsi %add3A_126, %min3A : i32
      %dma_start3A_128 = arith.constant 0 : i32
      %dma_start3A_129 = arith.constant 0 : i32
      %dma_start3A_130 = arith.constant 0 : i32
      %dma_start3A_131 = tpu.memref_slice %arg9[%dma_start3A_128, %dma_start3A_129, %dma_start3A_130] : memref<2x128x128xf32, #tpu.memory_space<vmem>> -> memref<1x128x128xf32, #tpu.memory_space<vmem>>
      %dma_start3A_132 = tpu.memref_squeeze %dma_start3A_131 : memref<1x128x128xf32, #tpu.memory_space<vmem>> -> memref<128x128xf32, #tpu.memory_space<vmem>>
      %dma_start3A_133 = arith.constant 0 : i32
      %dma_start3A_134 = tpu.memref_slice %arg7[%min3A_127, %dma_start3A_133] : memref<80x128xi32, #tpu.memory_space<vmem>> -> memref<1x128xi32, #tpu.memory_space<vmem>>
      %dma_start3A_135 = tpu.memref_squeeze %dma_start3A_134 : memref<1x128xi32, #tpu.memory_space<vmem>> -> memref<128xi32, #tpu.memory_space<vmem>>
      %dma_start3A_136 = arith.constant 0 : i32
      %dma_start3A_137 = arith.constant 0 : i32
      %dma_start3A_138 = tpu.memref_slice %arg2[%dma_start3A_136, %dma_start3A_137] : memref<10000x128xf32, #tpu.memory_space<hbm>> -> memref<10000x128xf32, #tpu.memory_space<hbm>>
      tpu.enqueue_indirect_dma source(%dma_start3A_138 : memref<10000x128xf32, #tpu.memory_space<hbm>>) target(%dma_start3A_132 : memref<128x128xf32, #tpu.memory_space<vmem>>) offsets(%dma_start3A_135 : memref<128xi32, #tpu.memory_space<vmem>>) semaphore(%arg10 : memref<!tpu.dma_semaphore, #tpu.memory_space<semaphore_mem>>)
      %add3A_139 = arith.constant 1 : i32
      %add3A_140 = arith.addi %mul3A_86, %add3A_139 : i32
      %run_scoped3A_141 = arith.constant 1 : i32
      "tpu.region"() ({
        %run_scoped3A_142 = tpu.sem_alloc : memref<!tpu.dma_semaphore, #tpu.memory_space<semaphore_mem>>
        %dma_start3A_143 = arith.constant 0 : i32
        %dma_start3A_144 = arith.constant 0 : i32
        %dma_start3A_145 = tpu.memref_slice %arg9[%run_scoped3A_141, %dma_start3A_143, %dma_start3A_144] : memref<2x128x128xf32, #tpu.memory_space<vmem>> -> memref<1x128x128xf32, #tpu.memory_space<vmem>>
        %dma_start3A_146 = tpu.memref_squeeze %dma_start3A_145 : memref<1x128x128xf32, #tpu.memory_space<vmem>> -> memref<128x128xf32, #tpu.memory_space<vmem>>
        %dma_start3A_147 = arith.constant 0 : i32
        %dma_start3A_148 = tpu.memref_slice %arg8[%add3A_140, %dma_start3A_147] : memref<40x128xi32, #tpu.memory_space<vmem>> -> memref<1x128xi32, #tpu.memory_space<vmem>>
        %dma_start3A_149 = tpu.memref_squeeze %dma_start3A_148 : memref<1x128xi32, #tpu.memory_space<vmem>> -> memref<128xi32, #tpu.memory_space<vmem>>
        %dma_start3A_150 = arith.constant 0 : i32
        %dma_start3A_151 = arith.constant 0 : i32
        %dma_start3A_152 = tpu.memref_slice %arg6[%dma_start3A_150, %dma_start3A_151] : memref<10112x128xf32, #tpu.memory_space<vmem_shared>> -> memref<10112x128xf32, #tpu.memory_space<vmem_shared>>
        tpu.enqueue_indirect_dma source(%dma_start3A_146 : memref<128x128xf32, #tpu.memory_space<vmem>>) target(%dma_start3A_152 : memref<10112x128xf32, #tpu.memory_space<vmem_shared>>) offsets(%dma_start3A_149 : memref<128xi32, #tpu.memory_space<vmem>>) semaphore(%run_scoped3A_142 : memref<!tpu.dma_semaphore, #tpu.memory_space<semaphore_mem>>) {add = true}
        %dma_wait3A_153 = arith.constant 0 : i32
        %dma_wait3A_154 = arith.constant 0 : i32
        %dma_wait3A_155 = tpu.memref_slice %arg9[%run_scoped3A_141, %dma_wait3A_153, %dma_wait3A_154] : memref<2x128x128xf32, #tpu.memory_space<vmem>> -> memref<1x128x128xf32, #tpu.memory_space<vmem>>
        %dma_wait3A_156 = tpu.memref_squeeze %dma_wait3A_155 : memref<1x128x128xf32, #tpu.memory_space<vmem>> -> memref<128x128xf32, #tpu.memory_space<vmem>>
        %dma_wait3A_157 = arith.constant 0 : i32
        %dma_wait3A_158 = tpu.memref_slice %arg8[%add3A_140, %dma_wait3A_157] : memref<40x128xi32, #tpu.memory_space<vmem>> -> memref<1x128xi32, #tpu.memory_space<vmem>>
        %dma_wait3A_159 = tpu.memref_squeeze %dma_wait3A_158 : memref<1x128xi32, #tpu.memory_space<vmem>> -> memref<128xi32, #tpu.memory_space<vmem>>
        %dma_wait3A_160 = arith.constant 0 : i32
        %dma_wait3A_161 = arith.constant 0 : i32
        %dma_wait3A_162 = tpu.memref_slice %arg6[%dma_wait3A_160, %dma_wait3A_161] : memref<10112x128xf32, #tpu.memory_space<vmem_shared>> -> memref<10112x128xf32, #tpu.memory_space<vmem_shared>>
        tpu.wait_indirect_dma semaphore(%run_scoped3A_142 : memref<!tpu.dma_semaphore, #tpu.memory_space<semaphore_mem>>) src(%dma_wait3A_156 : memref<128x128xf32, #tpu.memory_space<vmem>>) dst(%dma_wait3A_162 : memref<10112x128xf32, #tpu.memory_space<vmem_shared>>)
        tpu.yield
      }) : () -> ()
    }
    %scan3A_33 = arith.constant 20 : i32
    %dma_wait3A = arith.constant 0 : i32
    %dma_wait3A_34 = arith.constant 0 : i32
    %dma_wait3A_35 = arith.constant 0 : i32
    %dma_wait3A_36 = arith.constant 0 : i32
    %dma_wait3A_37 = tpu.memref_slice %arg9[%dma_wait3A_34, %dma_wait3A_35, %dma_wait3A_36] : memref<2x128x128xf32, #tpu.memory_space<vmem>> -> memref<1x128x128xf32, #tpu.memory_space<vmem>>
    %dma_wait3A_38 = tpu.memref_squeeze %dma_wait3A_37 : memref<1x128x128xf32, #tpu.memory_space<vmem>> -> memref<128x128xf32, #tpu.memory_space<vmem>>
    %dma_wait3A_39 = arith.constant 0 : i32
    %dma_wait3A_40 = tpu.memref_slice %arg7[%dma_wait3A, %dma_wait3A_39] : memref<80x128xi32, #tpu.memory_space<vmem>> -> memref<1x128xi32, #tpu.memory_space<vmem>>
    %dma_wait3A_41 = tpu.memref_squeeze %dma_wait3A_40 : memref<1x128xi32, #tpu.memory_space<vmem>> -> memref<128xi32, #tpu.memory_space<vmem>>
    %dma_wait3A_42 = arith.constant 0 : i32
    %dma_wait3A_43 = arith.constant 0 : i32
    %dma_wait3A_44 = tpu.memref_slice %arg2[%dma_wait3A_42, %dma_wait3A_43] : memref<10000x128xf32, #tpu.memory_space<hbm>> -> memref<10000x128xf32, #tpu.memory_space<hbm>>
    tpu.wait_indirect_dma semaphore(%arg10 : memref<!tpu.dma_semaphore, #tpu.memory_space<semaphore_mem>>) src(%dma_wait3A_44 : memref<10000x128xf32, #tpu.memory_space<hbm>>) dst(%dma_wait3A_38 : memref<128x128xf32, #tpu.memory_space<vmem>>)
    "tpu.region"() ({
      %run_scoped3A_80 = tpu.sem_alloc : memref<!tpu.dma_semaphore, #tpu.memory_space<semaphore_mem>>
      %dma_start3A_81 = arith.constant 40 : i32
      %dma_start3A_82 = arith.constant 0 : i32
      %dma_start3A_83 = tpu.memref_slice %arg4[%add3A, %dma_start3A_81, %dma_start3A_82] : memref<32x80x128xi32, #tpu.memory_space<hbm>> -> memref<1x40x128xi32, #tpu.memory_space<hbm>>
      %dma_start3A_84 = tpu.memref_squeeze %dma_start3A_83 : memref<1x40x128xi32, #tpu.memory_space<hbm>> -> memref<40x128xi32, #tpu.memory_space<hbm>>
      %dma_start3A_85 = arith.constant 40 : i32
      %dma_start3A_86 = arith.constant 0 : i32
      %dma_start3A_87 = tpu.memref_slice %arg4[%add3A, %dma_start3A_85, %dma_start3A_86] : memref<32x80x128xi32, #tpu.memory_space<hbm>> -> memref<1x40x128xi32, #tpu.memory_space<hbm>>
      %dma_start3A_88 = tpu.memref_squeeze %dma_start3A_87 : memref<1x40x128xi32, #tpu.memory_space<hbm>> -> memref<40x128xi32, #tpu.memory_space<hbm>>
      tpu.enqueue_dma source(%dma_start3A_88 : memref<40x128xi32, #tpu.memory_space<hbm>>) target(%arg8 : memref<40x128xi32, #tpu.memory_space<vmem>>) target_semaphore(%run_scoped3A_80 : memref<!tpu.dma_semaphore, #tpu.memory_space<semaphore_mem>>)
      %dma_wait3A_89 = arith.constant 40 : i32
      %dma_wait3A_90 = arith.constant 0 : i32
      %dma_wait3A_91 = tpu.memref_slice %arg4[%add3A, %dma_wait3A_89, %dma_wait3A_90] : memref<32x80x128xi32, #tpu.memory_space<hbm>> -> memref<1x40x128xi32, #tpu.memory_space<hbm>>
      %dma_wait3A_92 = tpu.memref_squeeze %dma_wait3A_91 : memref<1x40x128xi32, #tpu.memory_space<hbm>> -> memref<40x128xi32, #tpu.memory_space<hbm>>
      %dma_wait3A_93 = arith.constant 40 : i32
      %dma_wait3A_94 = arith.constant 0 : i32
      %dma_wait3A_95 = tpu.memref_slice %arg4[%add3A, %dma_wait3A_93, %dma_wait3A_94] : memref<32x80x128xi32, #tpu.memory_space<hbm>> -> memref<1x40x128xi32, #tpu.memory_space<hbm>>
      %dma_wait3A_96 = tpu.memref_squeeze %dma_wait3A_95 : memref<1x40x128xi32, #tpu.memory_space<hbm>> -> memref<40x128xi32, #tpu.memory_space<hbm>>
      tpu.wait_dma2 semaphore(%run_scoped3A_80 : memref<!tpu.dma_semaphore, #tpu.memory_space<semaphore_mem>>) src(%dma_wait3A_96 : memref<40x128xi32, #tpu.memory_space<hbm>>) dst(%arg8 : memref<40x128xi32, #tpu.memory_space<vmem>>)
      tpu.yield
    }) : () -> ()
    %dma_start3A_45 = arith.constant 40 : i32
    %dma_start3A_46 = arith.constant 0 : i32
    %dma_start3A_47 = arith.constant 0 : i32
    %dma_start3A_48 = arith.constant 0 : i32
    %dma_start3A_49 = tpu.memref_slice %arg9[%dma_start3A_46, %dma_start3A_47, %dma_start3A_48] : memref<2x128x128xf32, #tpu.memory_space<vmem>> -> memref<1x128x128xf32, #tpu.memory_space<vmem>>
    %dma_start3A_50 = tpu.memref_squeeze %dma_start3A_49 : memref<1x128x128xf32, #tpu.memory_space<vmem>> -> memref<128x128xf32, #tpu.memory_space<vmem>>
    %dma_start3A_51 = arith.constant 0 : i32
    %dma_start3A_52 = tpu.memref_slice %arg7[%dma_start3A_45, %dma_start3A_51] : memref<80x128xi32, #tpu.memory_space<vmem>> -> memref<1x128xi32, #tpu.memory_space<vmem>>
    %dma_start3A_53 = tpu.memref_squeeze %dma_start3A_52 : memref<1x128xi32, #tpu.memory_space<vmem>> -> memref<128xi32, #tpu.memory_space<vmem>>
    %dma_start3A_54 = arith.constant 0 : i32
    %dma_start3A_55 = arith.constant 0 : i32
    %dma_start3A_56 = tpu.memref_slice %arg2[%dma_start3A_54, %dma_start3A_55] : memref<10000x128xf32, #tpu.memory_space<hbm>> -> memref<10000x128xf32, #tpu.memory_space<hbm>>
    tpu.enqueue_indirect_dma source(%dma_start3A_56 : memref<10000x128xf32, #tpu.memory_space<hbm>>) target(%dma_start3A_50 : memref<128x128xf32, #tpu.memory_space<vmem>>) offsets(%dma_start3A_53 : memref<128xi32, #tpu.memory_space<vmem>>) semaphore(%arg10 : memref<!tpu.dma_semaphore, #tpu.memory_space<semaphore_mem>>)
    %scan3A_57 = arith.constant 0 : i32
    %scan3A_58 = arith.constant 0 : i32
    %scan3A_59 = arith.constant 20 : i32
    %scan3A_60 = arith.addi %scan3A_58, %scan3A_59 : i32
    %scan3A_61 = arith.constant 1 : i32
    scf.for %scan3A_80 = %scan3A_58 to %scan3A_60 step %scan3A_61  : i32 {
      %mul3A_81 = arith.constant 2 : i32
      %mul3A_82 = arith.muli %mul3A_81, %scan3A_80 : i32
      %add3A_83 = arith.constant 40 : i32
      %add3A_84 = arith.addi %add3A_83, %mul3A_82 : i32
      %mul3A_85 = arith.constant 2 : i32
      %mul3A_86 = arith.muli %mul3A_85, %scan3A_80 : i32
      %dma_wait3A_87 = arith.constant 0 : i32
      %dma_wait3A_88 = arith.constant 0 : i32
      %dma_wait3A_89 = arith.constant 0 : i32
      %dma_wait3A_90 = arith.constant 0 : i32
      %dma_wait3A_91 = tpu.memref_slice %arg9[%dma_wait3A_88, %dma_wait3A_89, %dma_wait3A_90] : memref<2x128x128xf32, #tpu.memory_space<vmem>> -> memref<1x128x128xf32, #tpu.memory_space<vmem>>
      %dma_wait3A_92 = tpu.memref_squeeze %dma_wait3A_91 : memref<1x128x128xf32, #tpu.memory_space<vmem>> -> memref<128x128xf32, #tpu.memory_space<vmem>>
      %dma_wait3A_93 = arith.constant 0 : i32
      %dma_wait3A_94 = tpu.memref_slice %arg7[%dma_wait3A_87, %dma_wait3A_93] : memref<80x128xi32, #tpu.memory_space<vmem>> -> memref<1x128xi32, #tpu.memory_space<vmem>>
      %dma_wait3A_95 = tpu.memref_squeeze %dma_wait3A_94 : memref<1x128xi32, #tpu.memory_space<vmem>> -> memref<128xi32, #tpu.memory_space<vmem>>
      %dma_wait3A_96 = arith.constant 0 : i32
      %dma_wait3A_97 = arith.constant 0 : i32
      %dma_wait3A_98 = tpu.memref_slice %arg2[%dma_wait3A_96, %dma_wait3A_97] : memref<10000x128xf32, #tpu.memory_space<hbm>> -> memref<10000x128xf32, #tpu.memory_space<hbm>>
      tpu.wait_indirect_dma semaphore(%arg10 : memref<!tpu.dma_semaphore, #tpu.memory_space<semaphore_mem>>) src(%dma_wait3A_98 : memref<10000x128xf32, #tpu.memory_space<hbm>>) dst(%dma_wait3A_92 : memref<128x128xf32, #tpu.memory_space<vmem>>)
      %add3A_99 = arith.constant 1 : i32
      %add3A_100 = arith.addi %add3A_84, %add3A_99 : i32
      %dma_start3A_101 = arith.constant 1 : i32
      %dma_start3A_102 = arith.constant 0 : i32
      %dma_start3A_103 = arith.constant 0 : i32
      %dma_start3A_104 = tpu.memref_slice %arg9[%dma_start3A_101, %dma_start3A_102, %dma_start3A_103] : memref<2x128x128xf32, #tpu.memory_space<vmem>> -> memref<1x128x128xf32, #tpu.memory_space<vmem>>
      %dma_start3A_105 = tpu.memref_squeeze %dma_start3A_104 : memref<1x128x128xf32, #tpu.memory_space<vmem>> -> memref<128x128xf32, #tpu.memory_space<vmem>>
      %dma_start3A_106 = arith.constant 0 : i32
      %dma_start3A_107 = tpu.memref_slice %arg7[%add3A_100, %dma_start3A_106] : memref<80x128xi32, #tpu.memory_space<vmem>> -> memref<1x128xi32, #tpu.memory_space<vmem>>
      %dma_start3A_108 = tpu.memref_squeeze %dma_start3A_107 : memref<1x128xi32, #tpu.memory_space<vmem>> -> memref<128xi32, #tpu.memory_space<vmem>>
      %dma_start3A_109 = arith.constant 0 : i32
      %dma_start3A_110 = arith.constant 0 : i32
      %dma_start3A_111 = tpu.memref_slice %arg2[%dma_start3A_109, %dma_start3A_110] : memref<10000x128xf32, #tpu.memory_space<hbm>> -> memref<10000x128xf32, #tpu.memory_space<hbm>>
      tpu.enqueue_indirect_dma source(%dma_start3A_111 : memref<10000x128xf32, #tpu.memory_space<hbm>>) target(%dma_start3A_105 : memref<128x128xf32, #tpu.memory_space<vmem>>) offsets(%dma_start3A_108 : memref<128xi32, #tpu.memory_space<vmem>>) semaphore(%arg11 : memref<!tpu.dma_semaphore, #tpu.memory_space<semaphore_mem>>)
      %run_scoped3A_112 = arith.constant 0 : i32
      "tpu.region"() ({
        %run_scoped3A_142 = tpu.sem_alloc : memref<!tpu.dma_semaphore, #tpu.memory_space<semaphore_mem>>
        %dma_start3A_143 = arith.constant 0 : i32
        %dma_start3A_144 = arith.constant 0 : i32
        %dma_start3A_145 = tpu.memref_slice %arg9[%run_scoped3A_112, %dma_start3A_143, %dma_start3A_144] : memref<2x128x128xf32, #tpu.memory_space<vmem>> -> memref<1x128x128xf32, #tpu.memory_space<vmem>>
        %dma_start3A_146 = tpu.memref_squeeze %dma_start3A_145 : memref<1x128x128xf32, #tpu.memory_space<vmem>> -> memref<128x128xf32, #tpu.memory_space<vmem>>
        %dma_start3A_147 = arith.constant 0 : i32
        %dma_start3A_148 = tpu.memref_slice %arg8[%mul3A_86, %dma_start3A_147] : memref<40x128xi32, #tpu.memory_space<vmem>> -> memref<1x128xi32, #tpu.memory_space<vmem>>
        %dma_start3A_149 = tpu.memref_squeeze %dma_start3A_148 : memref<1x128xi32, #tpu.memory_space<vmem>> -> memref<128xi32, #tpu.memory_space<vmem>>
        %dma_start3A_150 = arith.constant 0 : i32
        %dma_start3A_151 = arith.constant 0 : i32
        %dma_start3A_152 = tpu.memref_slice %arg6[%dma_start3A_150, %dma_start3A_151] : memref<10112x128xf32, #tpu.memory_space<vmem_shared>> -> memref<10112x128xf32, #tpu.memory_space<vmem_shared>>
        tpu.enqueue_indirect_dma source(%dma_start3A_146 : memref<128x128xf32, #tpu.memory_space<vmem>>) target(%dma_start3A_152 : memref<10112x128xf32, #tpu.memory_space<vmem_shared>>) offsets(%dma_start3A_149 : memref<128xi32, #tpu.memory_space<vmem>>) semaphore(%run_scoped3A_142 : memref<!tpu.dma_semaphore, #tpu.memory_space<semaphore_mem>>) {add = true}
        %dma_wait3A_153 = arith.constant 0 : i32
        %dma_wait3A_154 = arith.constant 0 : i32
        %dma_wait3A_155 = tpu.memref_slice %arg9[%run_scoped3A_112, %dma_wait3A_153, %dma_wait3A_154] : memref<2x128x128xf32, #tpu.memory_space<vmem>> -> memref<1x128x128xf32, #tpu.memory_space<vmem>>
        %dma_wait3A_156 = tpu.memref_squeeze %dma_wait3A_155 : memref<1x128x128xf32, #tpu.memory_space<vmem>> -> memref<128x128xf32, #tpu.memory_space<vmem>>
        %dma_wait3A_157 = arith.constant 0 : i32
        %dma_wait3A_158 = tpu.memref_slice %arg8[%mul3A_86, %dma_wait3A_157] : memref<40x128xi32, #tpu.memory_space<vmem>> -> memref<1x128xi32, #tpu.memory_space<vmem>>
        %dma_wait3A_159 = tpu.memref_squeeze %dma_wait3A_158 : memref<1x128xi32, #tpu.memory_space<vmem>> -> memref<128xi32, #tpu.memory_space<vmem>>
        %dma_wait3A_160 = arith.constant 0 : i32
        %dma_wait3A_161 = arith.constant 0 : i32
        %dma_wait3A_162 = tpu.memref_slice %arg6[%dma_wait3A_160, %dma_wait3A_161] : memref<10112x128xf32, #tpu.memory_space<vmem_shared>> -> memref<10112x128xf32, #tpu.memory_space<vmem_shared>>
        tpu.wait_indirect_dma semaphore(%run_scoped3A_142 : memref<!tpu.dma_semaphore, #tpu.memory_space<semaphore_mem>>) src(%dma_wait3A_156 : memref<128x128xf32, #tpu.memory_space<vmem>>) dst(%dma_wait3A_162 : memref<10112x128xf32, #tpu.memory_space<vmem_shared>>)
        tpu.yield
      }) : () -> ()
      %dma_wait3A_113 = arith.constant 0 : i32
      %dma_wait3A_114 = arith.constant 1 : i32
      %dma_wait3A_115 = arith.constant 0 : i32
      %dma_wait3A_116 = arith.constant 0 : i32
      %dma_wait3A_117 = tpu.memref_slice %arg9[%dma_wait3A_114, %dma_wait3A_115, %dma_wait3A_116] : memref<2x128x128xf32, #tpu.memory_space<vmem>> -> memref<1x128x128xf32, #tpu.memory_space<vmem>>
      %dma_wait3A_118 = tpu.memref_squeeze %dma_wait3A_117 : memref<1x128x128xf32, #tpu.memory_space<vmem>> -> memref<128x128xf32, #tpu.memory_space<vmem>>
      %dma_wait3A_119 = arith.constant 0 : i32
      %dma_wait3A_120 = tpu.memref_slice %arg7[%dma_wait3A_113, %dma_wait3A_119] : memref<80x128xi32, #tpu.memory_space<vmem>> -> memref<1x128xi32, #tpu.memory_space<vmem>>
      %dma_wait3A_121 = tpu.memref_squeeze %dma_wait3A_120 : memref<1x128xi32, #tpu.memory_space<vmem>> -> memref<128xi32, #tpu.memory_space<vmem>>
      %dma_wait3A_122 = arith.constant 0 : i32
      %dma_wait3A_123 = arith.constant 0 : i32
      %dma_wait3A_124 = tpu.memref_slice %arg2[%dma_wait3A_122, %dma_wait3A_123] : memref<10000x128xf32, #tpu.memory_space<hbm>> -> memref<10000x128xf32, #tpu.memory_space<hbm>>
      tpu.wait_indirect_dma semaphore(%arg11 : memref<!tpu.dma_semaphore, #tpu.memory_space<semaphore_mem>>) src(%dma_wait3A_124 : memref<10000x128xf32, #tpu.memory_space<hbm>>) dst(%dma_wait3A_118 : memref<128x128xf32, #tpu.memory_space<vmem>>)
      %add3A_125 = arith.constant 2 : i32
      %add3A_126 = arith.addi %add3A_84, %add3A_125 : i32
      %min3A = arith.constant 79 : i32
      %min3A_127 = arith.minsi %add3A_126, %min3A : i32
      %dma_start3A_128 = arith.constant 0 : i32
      %dma_start3A_129 = arith.constant 0 : i32
      %dma_start3A_130 = arith.constant 0 : i32
      %dma_start3A_131 = tpu.memref_slice %arg9[%dma_start3A_128, %dma_start3A_129, %dma_start3A_130] : memref<2x128x128xf32, #tpu.memory_space<vmem>> -> memref<1x128x128xf32, #tpu.memory_space<vmem>>
      %dma_start3A_132 = tpu.memref_squeeze %dma_start3A_131 : memref<1x128x128xf32, #tpu.memory_space<vmem>> -> memref<128x128xf32, #tpu.memory_space<vmem>>
      %dma_start3A_133 = arith.constant 0 : i32
      %dma_start3A_134 = tpu.memref_slice %arg7[%min3A_127, %dma_start3A_133] : memref<80x128xi32, #tpu.memory_space<vmem>> -> memref<1x128xi32, #tpu.memory_space<vmem>>
      %dma_start3A_135 = tpu.memref_squeeze %dma_start3A_134 : memref<1x128xi32, #tpu.memory_space<vmem>> -> memref<128xi32, #tpu.memory_space<vmem>>
      %dma_start3A_136 = arith.constant 0 : i32
      %dma_start3A_137 = arith.constant 0 : i32
      %dma_start3A_138 = tpu.memref_slice %arg2[%dma_start3A_136, %dma_start3A_137] : memref<10000x128xf32, #tpu.memory_space<hbm>> -> memref<10000x128xf32, #tpu.memory_space<hbm>>
      tpu.enqueue_indirect_dma source(%dma_start3A_138 : memref<10000x128xf32, #tpu.memory_space<hbm>>) target(%dma_start3A_132 : memref<128x128xf32, #tpu.memory_space<vmem>>) offsets(%dma_start3A_135 : memref<128xi32, #tpu.memory_space<vmem>>) semaphore(%arg10 : memref<!tpu.dma_semaphore, #tpu.memory_space<semaphore_mem>>)
      %add3A_139 = arith.constant 1 : i32
      %add3A_140 = arith.addi %mul3A_86, %add3A_139 : i32
      %run_scoped3A_141 = arith.constant 1 : i32
      "tpu.region"() ({
        %run_scoped3A_142 = tpu.sem_alloc : memref<!tpu.dma_semaphore, #tpu.memory_space<semaphore_mem>>
        %dma_start3A_143 = arith.constant 0 : i32
        %dma_start3A_144 = arith.constant 0 : i32
        %dma_start3A_145 = tpu.memref_slice %arg9[%run_scoped3A_141, %dma_start3A_143, %dma_start3A_144] : memref<2x128x128xf32, #tpu.memory_space<vmem>> -> memref<1x128x128xf32, #tpu.memory_space<vmem>>
        %dma_start3A_146 = tpu.memref_squeeze %dma_start3A_145 : memref<1x128x128xf32, #tpu.memory_space<vmem>> -> memref<128x128xf32, #tpu.memory_space<vmem>>
        %dma_start3A_147 = arith.constant 0 : i32
        %dma_start3A_148 = tpu.memref_slice %arg8[%add3A_140, %dma_start3A_147] : memref<40x128xi32, #tpu.memory_space<vmem>> -> memref<1x128xi32, #tpu.memory_space<vmem>>
        %dma_start3A_149 = tpu.memref_squeeze %dma_start3A_148 : memref<1x128xi32, #tpu.memory_space<vmem>> -> memref<128xi32, #tpu.memory_space<vmem>>
        %dma_start3A_150 = arith.constant 0 : i32
        %dma_start3A_151 = arith.constant 0 : i32
        %dma_start3A_152 = tpu.memref_slice %arg6[%dma_start3A_150, %dma_start3A_151] : memref<10112x128xf32, #tpu.memory_space<vmem_shared>> -> memref<10112x128xf32, #tpu.memory_space<vmem_shared>>
        tpu.enqueue_indirect_dma source(%dma_start3A_146 : memref<128x128xf32, #tpu.memory_space<vmem>>) target(%dma_start3A_152 : memref<10112x128xf32, #tpu.memory_space<vmem_shared>>) offsets(%dma_start3A_149 : memref<128xi32, #tpu.memory_space<vmem>>) semaphore(%run_scoped3A_142 : memref<!tpu.dma_semaphore, #tpu.memory_space<semaphore_mem>>) {add = true}
        %dma_wait3A_153 = arith.constant 0 : i32
        %dma_wait3A_154 = arith.constant 0 : i32
        %dma_wait3A_155 = tpu.memref_slice %arg9[%run_scoped3A_141, %dma_wait3A_153, %dma_wait3A_154] : memref<2x128x128xf32, #tpu.memory_space<vmem>> -> memref<1x128x128xf32, #tpu.memory_space<vmem>>
        %dma_wait3A_156 = tpu.memref_squeeze %dma_wait3A_155 : memref<1x128x128xf32, #tpu.memory_space<vmem>> -> memref<128x128xf32, #tpu.memory_space<vmem>>
        %dma_wait3A_157 = arith.constant 0 : i32
        %dma_wait3A_158 = tpu.memref_slice %arg8[%add3A_140, %dma_wait3A_157] : memref<40x128xi32, #tpu.memory_space<vmem>> -> memref<1x128xi32, #tpu.memory_space<vmem>>
        %dma_wait3A_159 = tpu.memref_squeeze %dma_wait3A_158 : memref<1x128xi32, #tpu.memory_space<vmem>> -> memref<128xi32, #tpu.memory_space<vmem>>
        %dma_wait3A_160 = arith.constant 0 : i32
        %dma_wait3A_161 = arith.constant 0 : i32
        %dma_wait3A_162 = tpu.memref_slice %arg6[%dma_wait3A_160, %dma_wait3A_161] : memref<10112x128xf32, #tpu.memory_space<vmem_shared>> -> memref<10112x128xf32, #tpu.memory_space<vmem_shared>>
        tpu.wait_indirect_dma semaphore(%run_scoped3A_142 : memref<!tpu.dma_semaphore, #tpu.memory_space<semaphore_mem>>) src(%dma_wait3A_156 : memref<128x128xf32, #tpu.memory_space<vmem>>) dst(%dma_wait3A_162 : memref<10112x128xf32, #tpu.memory_space<vmem_shared>>)
        tpu.yield
      }) : () -> ()
    }
    %scan3A_62 = arith.constant 20 : i32
    %dma_wait3A_63 = arith.constant 0 : i32
    %dma_wait3A_64 = arith.constant 0 : i32
    %dma_wait3A_65 = arith.constant 0 : i32
    %dma_wait3A_66 = arith.constant 0 : i32
    %dma_wait3A_67 = tpu.memref_slice %arg9[%dma_wait3A_64, %dma_wait3A_65, %dma_wait3A_66] : memref<2x128x128xf32, #tpu.memory_space<vmem>> -> memref<1x128x128xf32, #tpu.memory_space<vmem>>
    %dma_wait3A_68 = tpu.memref_squeeze %dma_wait3A_67 : memref<1x128x128xf32, #tpu.memory_space<vmem>> -> memref<128x128xf32, #tpu.memory_space<vmem>>
    %dma_wait3A_69 = arith.constant 0 : i32
    %dma_wait3A_70 = tpu.memref_slice %arg7[%dma_wait3A_63, %dma_wait3A_69] : memref<80x128xi32, #tpu.memory_space<vmem>> -> memref<1x128xi32, #tpu.memory_space<vmem>>
    %dma_wait3A_71 = tpu.memref_squeeze %dma_wait3A_70 : memref<1x128xi32, #tpu.memory_space<vmem>> -> memref<128xi32, #tpu.memory_space<vmem>>
    %dma_wait3A_72 = arith.constant 0 : i32
    %dma_wait3A_73 = arith.constant 0 : i32
    %dma_wait3A_74 = tpu.memref_slice %arg2[%dma_wait3A_72, %dma_wait3A_73] : memref<10000x128xf32, #tpu.memory_space<hbm>> -> memref<10000x128xf32, #tpu.memory_space<hbm>>
    tpu.wait_indirect_dma semaphore(%arg10 : memref<!tpu.dma_semaphore, #tpu.memory_space<semaphore_mem>>) src(%dma_wait3A_74 : memref<10000x128xf32, #tpu.memory_space<hbm>>) dst(%dma_wait3A_68 : memref<128x128xf32, #tpu.memory_space<vmem>>)
    %barrier3A_75 = arith.constant 0 : index
    tpu.barrier barrier_id(%barrier3A_75)
    %mul3A_76 = arith.constant 632 : i32
    %mul3A_77 = arith.muli %arg1, %mul3A_76 : i32
    %mul3A_78 = arith.constant 632 : i32
    %mul3A_79 = arith.muli %arg1, %mul3A_78 : i32
    "tpu.region"() ({
      %run_scoped3A_80 = tpu.sem_alloc : memref<!tpu.dma_semaphore, #tpu.memory_space<semaphore_mem>>
      %dma_start3A_81 = arith.constant 0 : i32
      %dma_start3A_82 = tpu.memref_slice %arg5[%arg0, %mul3A_79, %dma_start3A_81] : memref<2x10112x128xf32, #tpu.memory_space<hbm>> -> memref<1x632x128xf32, #tpu.memory_space<hbm>>
      %dma_start3A_83 = tpu.memref_squeeze %dma_start3A_82 : memref<1x632x128xf32, #tpu.memory_space<hbm>> -> memref<632x128xf32, #tpu.memory_space<hbm>>
      %dma_start3A_84 = arith.constant 0 : i32
      %dma_start3A_85 = tpu.memref_slice %arg6[%mul3A_77, %dma_start3A_84] : memref<10112x128xf32, #tpu.memory_space<vmem_shared>> -> memref<632x128xf32, #tpu.memory_space<vmem_shared>>
      tpu.enqueue_dma source(%dma_start3A_85 : memref<632x128xf32, #tpu.memory_space<vmem_shared>>) target(%dma_start3A_83 : memref<632x128xf32, #tpu.memory_space<hbm>>) target_semaphore(%run_scoped3A_80 : memref<!tpu.dma_semaphore, #tpu.memory_space<semaphore_mem>>)
      %dma_wait3A_86 = arith.constant 0 : i32
      %dma_wait3A_87 = tpu.memref_slice %arg5[%arg0, %mul3A_79, %dma_wait3A_86] : memref<2x10112x128xf32, #tpu.memory_space<hbm>> -> memref<1x632x128xf32, #tpu.memory_space<hbm>>
      %dma_wait3A_88 = tpu.memref_squeeze %dma_wait3A_87 : memref<1x632x128xf32, #tpu.memory_space<hbm>> -> memref<632x128xf32, #tpu.memory_space<hbm>>
      %dma_wait3A_89 = arith.constant 0 : i32
      %dma_wait3A_90 = tpu.memref_slice %arg6[%mul3A_77, %dma_wait3A_89] : memref<10112x128xf32, #tpu.memory_space<vmem_shared>> -> memref<632x128xf32, #tpu.memory_space<vmem_shared>>
      tpu.wait_dma2 semaphore(%run_scoped3A_80 : memref<!tpu.dma_semaphore, #tpu.memory_space<semaphore_mem>>) src(%dma_wait3A_90 : memref<632x128xf32, #tpu.memory_space<vmem_shared>>) dst(%dma_wait3A_88 : memref<632x128xf32, #tpu.memory_space<hbm>>)
      tpu.yield
    }) : () -> ()
    return
  }
}

module attributes {stable_mosaic.version = 14 : i64} {
  func.func @_deg_body(%arg0: i32, %arg1: memref<8x1280xi32, #tpu.memory_space<vmem>>, %arg2: memref<79x128xf32, #tpu.memory_space<vmem>>) attributes {dimension_semantics = [#tpu.dimension_semantics<arbitrary>], iteration_bounds = array<i64: 32>, scalar_prefetch = 0 : i64, scratch_operands = 0 : i64, tpu.core_type = #tpu.core_type<tc>, window_params = [{transform_indices = @transform_0, window_bounds = array<i64: 8, 1280>}, {pipeline_mode = #tpu.pipeline_mode<synchronous>, transform_indices = @transform_1, window_bounds = array<i64: 79, 128>}]} {
    %eq3A = arith.constant 0 : i32
    %eq3A_0 = arith.cmpi eq, %arg0, %eq3A : i32
    %convert_element_type3A = arith.extui %eq3A_0 : i1 to i32
    %cond3A = arith.constant 0 : i32
    %cond3A_1 = arith.cmpi ne, %convert_element_type3A, %cond3A : i32
    scf.if %cond3A_1 {
      %broadcast_in_dim3A_185 = arith.constant 0.000000e+00 : f32
      %broadcast_in_dim3A_186 = vector.broadcast %broadcast_in_dim3A_185 : f32 to vector<79x128xf32>
      %swap3A_187 = arith.constant 0 : index
      %swap3A_188 = arith.constant 0 : index
      %swap3A_189 = vector.load %arg2[%swap3A_187, %swap3A_188] : memref<79x128xf32, #tpu.memory_space<vmem>>, vector<79x128xf32>
      tpu.vector_store %arg2[%swap3A_187, %swap3A_188], %broadcast_in_dim3A_186 {strides = array<i32>} : memref<79x128xf32, #tpu.memory_space<vmem>>, vector<79x128xf32>,
    } else {
    }
    %get3A = arith.constant 0 : index
    %get3A_2 = arith.constant 0 : index
    %get3A_3 = vector.load %arg1[%get3A, %get3A_2] : memref<8x1280xi32, #tpu.memory_space<vmem>>, vector<8x1280xi32>
    %get3A_4 = arith.constant 0 : index
    %get3A_5 = arith.constant 0 : index
    %get3A_6 = vector.load %arg2[%get3A_4, %get3A_5] : memref<79x128xf32, #tpu.memory_space<vmem>>, vector<79x128xf32>
    %slice3A = vector.extract_strided_slice %get3A_3 {offsets = [0, 0], sizes = [1, 1280], strides = [1, 1]} : vector<8x1280xi32> to vector<1x1280xi32>
    %squeeze3A = vector.shape_cast %slice3A : vector<1x1280xi32> to vector<1280xi32>
    %shift_right_logical3A = arith.constant 7 : i32
    %shift_right_logical3A_7 = vector.broadcast %shift_right_logical3A : i32 to vector<1280xi32>
    %shift_right_logical3A_8 = arith.shrui %squeeze3A, %shift_right_logical3A_7 : vector<1280xi32>
    %and3A = arith.constant 127 : i32
    %and3A_9 = vector.broadcast %and3A : i32 to vector<1280xi32>
    %and3A_10 = arith.andi %squeeze3A, %and3A_9 : vector<1280xi32>
    %iota3A = tpu.iota {dimensions = array<i32: 0>} : vector<79x1280xi32>
    %broadcast_in_dim3A = vector.shape_cast %shift_right_logical3A_8 : vector<1280xi32> to vector<1x1280xi32>
    %eq3A_11 = vector.broadcast %broadcast_in_dim3A : vector<1x1280xi32> to vector<79x1280xi32>
    %eq3A_12 = arith.cmpi eq, %iota3A, %eq3A_11 : vector<79x1280xi32>
    %convert_element_type3A_13 = arith.extui %eq3A_12 : vector<79x1280xi1> to vector<79x1280xi32>
    %convert_element_type3A_14 = arith.sitofp %convert_element_type3A_13 : vector<79x1280xi32> to vector<79x1280xf32>
    %broadcast_in_dim3A_15 = vector.shape_cast %and3A_10 : vector<1280xi32> to vector<1280x1xi32>
    %iota3A_16 = tpu.iota {dimensions = array<i32: 1>} : vector<1280x128xi32>
    %eq3A_17 = vector.broadcast %broadcast_in_dim3A_15 : vector<1280x1xi32> to vector<1280x128xi32>
    %eq3A_18 = arith.cmpi eq, %eq3A_17, %iota3A_16 : vector<1280x128xi32>
    %convert_element_type3A_19 = arith.extui %eq3A_18 : vector<1280x128xi1> to vector<1280x128xi32>
    %convert_element_type3A_20 = arith.sitofp %convert_element_type3A_19 : vector<1280x128xi32> to vector<1280x128xf32>
    %dot_general3A = arith.constant dense<0.000000e+00> : vector<79x128xf32>
    %dot_general3A_21 = tpu.matmul %convert_element_type3A_14, %convert_element_type3A_20, %dot_general3A {dimension_numbers = #tpu.dot_dimension_numbers<[1], [0], [0], [1], [0, 0, 1, 1], [], []>, transpose_lhs_hint = false} : vector<79x1280xf32>, vector<1280x128xf32>, vector<79x128xf32> -> vector<79x128xf32>
    %add3A = arith.addf %get3A_6, %dot_general3A_21 : vector<79x128xf32>
    %slice3A_22 = vector.extract_strided_slice %get3A_3 {offsets = [1, 0], sizes = [1, 1280], strides = [1, 1]} : vector<8x1280xi32> to vector<1x1280xi32>
    %squeeze3A_23 = vector.shape_cast %slice3A_22 : vector<1x1280xi32> to vector<1280xi32>
    %shift_right_logical3A_24 = arith.constant 7 : i32
    %shift_right_logical3A_25 = vector.broadcast %shift_right_logical3A_24 : i32 to vector<1280xi32>
    %shift_right_logical3A_26 = arith.shrui %squeeze3A_23, %shift_right_logical3A_25 : vector<1280xi32>
    %and3A_27 = arith.constant 127 : i32
    %and3A_28 = vector.broadcast %and3A_27 : i32 to vector<1280xi32>
    %and3A_29 = arith.andi %squeeze3A_23, %and3A_28 : vector<1280xi32>
    %iota3A_30 = tpu.iota {dimensions = array<i32: 0>} : vector<79x1280xi32>
    %broadcast_in_dim3A_31 = vector.shape_cast %shift_right_logical3A_26 : vector<1280xi32> to vector<1x1280xi32>
    %eq3A_32 = vector.broadcast %broadcast_in_dim3A_31 : vector<1x1280xi32> to vector<79x1280xi32>
    %eq3A_33 = arith.cmpi eq, %iota3A_30, %eq3A_32 : vector<79x1280xi32>
    %convert_element_type3A_34 = arith.extui %eq3A_33 : vector<79x1280xi1> to vector<79x1280xi32>
    %convert_element_type3A_35 = arith.sitofp %convert_element_type3A_34 : vector<79x1280xi32> to vector<79x1280xf32>
    %broadcast_in_dim3A_36 = vector.shape_cast %and3A_29 : vector<1280xi32> to vector<1280x1xi32>
    %iota3A_37 = tpu.iota {dimensions = array<i32: 1>} : vector<1280x128xi32>
    %eq3A_38 = vector.broadcast %broadcast_in_dim3A_36 : vector<1280x1xi32> to vector<1280x128xi32>
    %eq3A_39 = arith.cmpi eq, %eq3A_38, %iota3A_37 : vector<1280x128xi32>
    %convert_element_type3A_40 = arith.extui %eq3A_39 : vector<1280x128xi1> to vector<1280x128xi32>
    %convert_element_type3A_41 = arith.sitofp %convert_element_type3A_40 : vector<1280x128xi32> to vector<1280x128xf32>
    %dot_general3A_42 = arith.constant dense<0.000000e+00> : vector<79x128xf32>
    %dot_general3A_43 = tpu.matmul %convert_element_type3A_35, %convert_element_type3A_41, %dot_general3A_42 {dimension_numbers = #tpu.dot_dimension_numbers<[1], [0], [0], [1], [0, 0, 1, 1], [], []>, transpose_lhs_hint = false} : vector<79x1280xf32>, vector<1280x128xf32>, vector<79x128xf32> -> vector<79x128xf32>
    %add3A_44 = arith.addf %add3A, %dot_general3A_43 : vector<79x128xf32>
    %slice3A_45 = vector.extract_strided_slice %get3A_3 {offsets = [2, 0], sizes = [1, 1280], strides = [1, 1]} : vector<8x1280xi32> to vector<1x1280xi32>
    %squeeze3A_46 = vector.shape_cast %slice3A_45 : vector<1x1280xi32> to vector<1280xi32>
    %shift_right_logical3A_47 = arith.constant 7 : i32
    %shift_right_logical3A_48 = vector.broadcast %shift_right_logical3A_47 : i32 to vector<1280xi32>
    %shift_right_logical3A_49 = arith.shrui %squeeze3A_46, %shift_right_logical3A_48 : vector<1280xi32>
    %and3A_50 = arith.constant 127 : i32
    %and3A_51 = vector.broadcast %and3A_50 : i32 to vector<1280xi32>
    %and3A_52 = arith.andi %squeeze3A_46, %and3A_51 : vector<1280xi32>
    %iota3A_53 = tpu.iota {dimensions = array<i32: 0>} : vector<79x1280xi32>
    %broadcast_in_dim3A_54 = vector.shape_cast %shift_right_logical3A_49 : vector<1280xi32> to vector<1x1280xi32>
    %eq3A_55 = vector.broadcast %broadcast_in_dim3A_54 : vector<1x1280xi32> to vector<79x1280xi32>
    %eq3A_56 = arith.cmpi eq, %iota3A_53, %eq3A_55 : vector<79x1280xi32>
    %convert_element_type3A_57 = arith.extui %eq3A_56 : vector<79x1280xi1> to vector<79x1280xi32>
    %convert_element_type3A_58 = arith.sitofp %convert_element_type3A_57 : vector<79x1280xi32> to vector<79x1280xf32>
    %broadcast_in_dim3A_59 = vector.shape_cast %and3A_52 : vector<1280xi32> to vector<1280x1xi32>
    %iota3A_60 = tpu.iota {dimensions = array<i32: 1>} : vector<1280x128xi32>
    %eq3A_61 = vector.broadcast %broadcast_in_dim3A_59 : vector<1280x1xi32> to vector<1280x128xi32>
    %eq3A_62 = arith.cmpi eq, %eq3A_61, %iota3A_60 : vector<1280x128xi32>
    %convert_element_type3A_63 = arith.extui %eq3A_62 : vector<1280x128xi1> to vector<1280x128xi32>
    %convert_element_type3A_64 = arith.sitofp %convert_element_type3A_63 : vector<1280x128xi32> to vector<1280x128xf32>
    %dot_general3A_65 = arith.constant dense<0.000000e+00> : vector<79x128xf32>
    %dot_general3A_66 = tpu.matmul %convert_element_type3A_58, %convert_element_type3A_64, %dot_general3A_65 {dimension_numbers = #tpu.dot_dimension_numbers<[1], [0], [0], [1], [0, 0, 1, 1], [], []>, transpose_lhs_hint = false} : vector<79x1280xf32>, vector<1280x128xf32>, vector<79x128xf32> -> vector<79x128xf32>
    %add3A_67 = arith.addf %add3A_44, %dot_general3A_66 : vector<79x128xf32>
    %slice3A_68 = vector.extract_strided_slice %get3A_3 {offsets = [3, 0], sizes = [1, 1280], strides = [1, 1]} : vector<8x1280xi32> to vector<1x1280xi32>
    %squeeze3A_69 = vector.shape_cast %slice3A_68 : vector<1x1280xi32> to vector<1280xi32>
    %shift_right_logical3A_70 = arith.constant 7 : i32
    %shift_right_logical3A_71 = vector.broadcast %shift_right_logical3A_70 : i32 to vector<1280xi32>
    %shift_right_logical3A_72 = arith.shrui %squeeze3A_69, %shift_right_logical3A_71 : vector<1280xi32>
    %and3A_73 = arith.constant 127 : i32
    %and3A_74 = vector.broadcast %and3A_73 : i32 to vector<1280xi32>
    %and3A_75 = arith.andi %squeeze3A_69, %and3A_74 : vector<1280xi32>
    %iota3A_76 = tpu.iota {dimensions = array<i32: 0>} : vector<79x1280xi32>
    %broadcast_in_dim3A_77 = vector.shape_cast %shift_right_logical3A_72 : vector<1280xi32> to vector<1x1280xi32>
    %eq3A_78 = vector.broadcast %broadcast_in_dim3A_77 : vector<1x1280xi32> to vector<79x1280xi32>
    %eq3A_79 = arith.cmpi eq, %iota3A_76, %eq3A_78 : vector<79x1280xi32>
    %convert_element_type3A_80 = arith.extui %eq3A_79 : vector<79x1280xi1> to vector<79x1280xi32>
    %convert_element_type3A_81 = arith.sitofp %convert_element_type3A_80 : vector<79x1280xi32> to vector<79x1280xf32>
    %broadcast_in_dim3A_82 = vector.shape_cast %and3A_75 : vector<1280xi32> to vector<1280x1xi32>
    %iota3A_83 = tpu.iota {dimensions = array<i32: 1>} : vector<1280x128xi32>
    %eq3A_84 = vector.broadcast %broadcast_in_dim3A_82 : vector<1280x1xi32> to vector<1280x128xi32>
    %eq3A_85 = arith.cmpi eq, %eq3A_84, %iota3A_83 : vector<1280x128xi32>
    %convert_element_type3A_86 = arith.extui %eq3A_85 : vector<1280x128xi1> to vector<1280x128xi32>
    %convert_element_type3A_87 = arith.sitofp %convert_element_type3A_86 : vector<1280x128xi32> to vector<1280x128xf32>
    %dot_general3A_88 = arith.constant dense<0.000000e+00> : vector<79x128xf32>
    %dot_general3A_89 = tpu.matmul %convert_element_type3A_81, %convert_element_type3A_87, %dot_general3A_88 {dimension_numbers = #tpu.dot_dimension_numbers<[1], [0], [0], [1], [0, 0, 1, 1], [], []>, transpose_lhs_hint = false} : vector<79x1280xf32>, vector<1280x128xf32>, vector<79x128xf32> -> vector<79x128xf32>
    %add3A_90 = arith.addf %add3A_67, %dot_general3A_89 : vector<79x128xf32>
    %slice3A_91 = vector.extract_strided_slice %get3A_3 {offsets = [4, 0], sizes = [1, 1280], strides = [1, 1]} : vector<8x1280xi32> to vector<1x1280xi32>
    %squeeze3A_92 = vector.shape_cast %slice3A_91 : vector<1x1280xi32> to vector<1280xi32>
    %shift_right_logical3A_93 = arith.constant 7 : i32
    %shift_right_logical3A_94 = vector.broadcast %shift_right_logical3A_93 : i32 to vector<1280xi32>
    %shift_right_logical3A_95 = arith.shrui %squeeze3A_92, %shift_right_logical3A_94 : vector<1280xi32>
    %and3A_96 = arith.constant 127 : i32
    %and3A_97 = vector.broadcast %and3A_96 : i32 to vector<1280xi32>
    %and3A_98 = arith.andi %squeeze3A_92, %and3A_97 : vector<1280xi32>
    %iota3A_99 = tpu.iota {dimensions = array<i32: 0>} : vector<79x1280xi32>
    %broadcast_in_dim3A_100 = vector.shape_cast %shift_right_logical3A_95 : vector<1280xi32> to vector<1x1280xi32>
    %eq3A_101 = vector.broadcast %broadcast_in_dim3A_100 : vector<1x1280xi32> to vector<79x1280xi32>
    %eq3A_102 = arith.cmpi eq, %iota3A_99, %eq3A_101 : vector<79x1280xi32>
    %convert_element_type3A_103 = arith.extui %eq3A_102 : vector<79x1280xi1> to vector<79x1280xi32>
    %convert_element_type3A_104 = arith.sitofp %convert_element_type3A_103 : vector<79x1280xi32> to vector<79x1280xf32>
    %broadcast_in_dim3A_105 = vector.shape_cast %and3A_98 : vector<1280xi32> to vector<1280x1xi32>
    %iota3A_106 = tpu.iota {dimensions = array<i32: 1>} : vector<1280x128xi32>
    %eq3A_107 = vector.broadcast %broadcast_in_dim3A_105 : vector<1280x1xi32> to vector<1280x128xi32>
    %eq3A_108 = arith.cmpi eq, %eq3A_107, %iota3A_106 : vector<1280x128xi32>
    %convert_element_type3A_109 = arith.extui %eq3A_108 : vector<1280x128xi1> to vector<1280x128xi32>
    %convert_element_type3A_110 = arith.sitofp %convert_element_type3A_109 : vector<1280x128xi32> to vector<1280x128xf32>
    %dot_general3A_111 = arith.constant dense<0.000000e+00> : vector<79x128xf32>
    %dot_general3A_112 = tpu.matmul %convert_element_type3A_104, %convert_element_type3A_110, %dot_general3A_111 {dimension_numbers = #tpu.dot_dimension_numbers<[1], [0], [0], [1], [0, 0, 1, 1], [], []>, transpose_lhs_hint = false} : vector<79x1280xf32>, vector<1280x128xf32>, vector<79x128xf32> -> vector<79x128xf32>
    %add3A_113 = arith.addf %add3A_90, %dot_general3A_112 : vector<79x128xf32>
    %slice3A_114 = vector.extract_strided_slice %get3A_3 {offsets = [5, 0], sizes = [1, 1280], strides = [1, 1]} : vector<8x1280xi32> to vector<1x1280xi32>
    %squeeze3A_115 = vector.shape_cast %slice3A_114 : vector<1x1280xi32> to vector<1280xi32>
    %shift_right_logical3A_116 = arith.constant 7 : i32
    %shift_right_logical3A_117 = vector.broadcast %shift_right_logical3A_116 : i32 to vector<1280xi32>
    %shift_right_logical3A_118 = arith.shrui %squeeze3A_115, %shift_right_logical3A_117 : vector<1280xi32>
    %and3A_119 = arith.constant 127 : i32
    %and3A_120 = vector.broadcast %and3A_119 : i32 to vector<1280xi32>
    %and3A_121 = arith.andi %squeeze3A_115, %and3A_120 : vector<1280xi32>
    %iota3A_122 = tpu.iota {dimensions = array<i32: 0>} : vector<79x1280xi32>
    %broadcast_in_dim3A_123 = vector.shape_cast %shift_right_logical3A_118 : vector<1280xi32> to vector<1x1280xi32>
    %eq3A_124 = vector.broadcast %broadcast_in_dim3A_123 : vector<1x1280xi32> to vector<79x1280xi32>
    %eq3A_125 = arith.cmpi eq, %iota3A_122, %eq3A_124 : vector<79x1280xi32>
    %convert_element_type3A_126 = arith.extui %eq3A_125 : vector<79x1280xi1> to vector<79x1280xi32>
    %convert_element_type3A_127 = arith.sitofp %convert_element_type3A_126 : vector<79x1280xi32> to vector<79x1280xf32>
    %broadcast_in_dim3A_128 = vector.shape_cast %and3A_121 : vector<1280xi32> to vector<1280x1xi32>
    %iota3A_129 = tpu.iota {dimensions = array<i32: 1>} : vector<1280x128xi32>
    %eq3A_130 = vector.broadcast %broadcast_in_dim3A_128 : vector<1280x1xi32> to vector<1280x128xi32>
    %eq3A_131 = arith.cmpi eq, %eq3A_130, %iota3A_129 : vector<1280x128xi32>
    %convert_element_type3A_132 = arith.extui %eq3A_131 : vector<1280x128xi1> to vector<1280x128xi32>
    %convert_element_type3A_133 = arith.sitofp %convert_element_type3A_132 : vector<1280x128xi32> to vector<1280x128xf32>
    %dot_general3A_134 = arith.constant dense<0.000000e+00> : vector<79x128xf32>
    %dot_general3A_135 = tpu.matmul %convert_element_type3A_127, %convert_element_type3A_133, %dot_general3A_134 {dimension_numbers = #tpu.dot_dimension_numbers<[1], [0], [0], [1], [0, 0, 1, 1], [], []>, transpose_lhs_hint = false} : vector<79x1280xf32>, vector<1280x128xf32>, vector<79x128xf32> -> vector<79x128xf32>
    %add3A_136 = arith.addf %add3A_113, %dot_general3A_135 : vector<79x128xf32>
    %slice3A_137 = vector.extract_strided_slice %get3A_3 {offsets = [6, 0], sizes = [1, 1280], strides = [1, 1]} : vector<8x1280xi32> to vector<1x1280xi32>
    %squeeze3A_138 = vector.shape_cast %slice3A_137 : vector<1x1280xi32> to vector<1280xi32>
    %shift_right_logical3A_139 = arith.constant 7 : i32
    %shift_right_logical3A_140 = vector.broadcast %shift_right_logical3A_139 : i32 to vector<1280xi32>
    %shift_right_logical3A_141 = arith.shrui %squeeze3A_138, %shift_right_logical3A_140 : vector<1280xi32>
    %and3A_142 = arith.constant 127 : i32
    %and3A_143 = vector.broadcast %and3A_142 : i32 to vector<1280xi32>
    %and3A_144 = arith.andi %squeeze3A_138, %and3A_143 : vector<1280xi32>
    %iota3A_145 = tpu.iota {dimensions = array<i32: 0>} : vector<79x1280xi32>
    %broadcast_in_dim3A_146 = vector.shape_cast %shift_right_logical3A_141 : vector<1280xi32> to vector<1x1280xi32>
    %eq3A_147 = vector.broadcast %broadcast_in_dim3A_146 : vector<1x1280xi32> to vector<79x1280xi32>
    %eq3A_148 = arith.cmpi eq, %iota3A_145, %eq3A_147 : vector<79x1280xi32>
    %convert_element_type3A_149 = arith.extui %eq3A_148 : vector<79x1280xi1> to vector<79x1280xi32>
    %convert_element_type3A_150 = arith.sitofp %convert_element_type3A_149 : vector<79x1280xi32> to vector<79x1280xf32>
    %broadcast_in_dim3A_151 = vector.shape_cast %and3A_144 : vector<1280xi32> to vector<1280x1xi32>
    %iota3A_152 = tpu.iota {dimensions = array<i32: 1>} : vector<1280x128xi32>
    %eq3A_153 = vector.broadcast %broadcast_in_dim3A_151 : vector<1280x1xi32> to vector<1280x128xi32>
    %eq3A_154 = arith.cmpi eq, %eq3A_153, %iota3A_152 : vector<1280x128xi32>
    %convert_element_type3A_155 = arith.extui %eq3A_154 : vector<1280x128xi1> to vector<1280x128xi32>
    %convert_element_type3A_156 = arith.sitofp %convert_element_type3A_155 : vector<1280x128xi32> to vector<1280x128xf32>
    %dot_general3A_157 = arith.constant dense<0.000000e+00> : vector<79x128xf32>
    %dot_general3A_158 = tpu.matmul %convert_element_type3A_150, %convert_element_type3A_156, %dot_general3A_157 {dimension_numbers = #tpu.dot_dimension_numbers<[1], [0], [0], [1], [0, 0, 1, 1], [], []>, transpose_lhs_hint = false} : vector<79x1280xf32>, vector<1280x128xf32>, vector<79x128xf32> -> vector<79x128xf32>
    %add3A_159 = arith.addf %add3A_136, %dot_general3A_158 : vector<79x128xf32>
    %slice3A_160 = vector.extract_strided_slice %get3A_3 {offsets = [7, 0], sizes = [1, 1280], strides = [1, 1]} : vector<8x1280xi32> to vector<1x1280xi32>
    %squeeze3A_161 = vector.shape_cast %slice3A_160 : vector<1x1280xi32> to vector<1280xi32>
    %shift_right_logical3A_162 = arith.constant 7 : i32
    %shift_right_logical3A_163 = vector.broadcast %shift_right_logical3A_162 : i32 to vector<1280xi32>
    %shift_right_logical3A_164 = arith.shrui %squeeze3A_161, %shift_right_logical3A_163 : vector<1280xi32>
    %and3A_165 = arith.constant 127 : i32
    %and3A_166 = vector.broadcast %and3A_165 : i32 to vector<1280xi32>
    %and3A_167 = arith.andi %squeeze3A_161, %and3A_166 : vector<1280xi32>
    %iota3A_168 = tpu.iota {dimensions = array<i32: 0>} : vector<79x1280xi32>
    %broadcast_in_dim3A_169 = vector.shape_cast %shift_right_logical3A_164 : vector<1280xi32> to vector<1x1280xi32>
    %eq3A_170 = vector.broadcast %broadcast_in_dim3A_169 : vector<1x1280xi32> to vector<79x1280xi32>
    %eq3A_171 = arith.cmpi eq, %iota3A_168, %eq3A_170 : vector<79x1280xi32>
    %convert_element_type3A_172 = arith.extui %eq3A_171 : vector<79x1280xi1> to vector<79x1280xi32>
    %convert_element_type3A_173 = arith.sitofp %convert_element_type3A_172 : vector<79x1280xi32> to vector<79x1280xf32>
    %broadcast_in_dim3A_174 = vector.shape_cast %and3A_167 : vector<1280xi32> to vector<1280x1xi32>
    %iota3A_175 = tpu.iota {dimensions = array<i32: 1>} : vector<1280x128xi32>
    %eq3A_176 = vector.broadcast %broadcast_in_dim3A_174 : vector<1280x1xi32> to vector<1280x128xi32>
    %eq3A_177 = arith.cmpi eq, %eq3A_176, %iota3A_175 : vector<1280x128xi32>
    %convert_element_type3A_178 = arith.extui %eq3A_177 : vector<1280x128xi1> to vector<1280x128xi32>
    %convert_element_type3A_179 = arith.sitofp %convert_element_type3A_178 : vector<1280x128xi32> to vector<1280x128xf32>
    %dot_general3A_180 = arith.constant dense<0.000000e+00> : vector<79x128xf32>
    %dot_general3A_181 = tpu.matmul %convert_element_type3A_173, %convert_element_type3A_179, %dot_general3A_180 {dimension_numbers = #tpu.dot_dimension_numbers<[1], [0], [0], [1], [0, 0, 1, 1], [], []>, transpose_lhs_hint = false} : vector<79x1280xf32>, vector<1280x128xf32>, vector<79x128xf32> -> vector<79x128xf32>
    %add3A_182 = arith.addf %add3A_159, %dot_general3A_181 : vector<79x128xf32>
    %swap3A = arith.constant 0 : index
    %swap3A_183 = arith.constant 0 : index
    %swap3A_184 = vector.load %arg2[%swap3A, %swap3A_183] : memref<79x128xf32, #tpu.memory_space<vmem>>, vector<79x128xf32>
    tpu.vector_store %arg2[%swap3A, %swap3A_183], %add3A_182 {strides = array<i32>} : memref<79x128xf32, #tpu.memory_space<vmem>>, vector<79x128xf32>,
    return
  }
  func.func @transform_0(%arg0: i32) -> (i32, i32) {
    %c0_i32 = arith.constant 0 : i32
    %c0_i32_0 = arith.constant 0 : i32
    return %arg0, %c0_i32 : i32, i32
  }
  func.func @transform_1(%arg0: i32) -> (i32, i32) {
    %c0_i32 = arith.constant 0 : i32
    %c0_i32_0 = arith.constant 0 : i32
    %c0_i32_1 = arith.constant 0 : i32
    return %c0_i32, %c0_i32_0 : i32, i32
  }
}

module attributes {stable_mosaic.version = 14 : i64} {
  func.func @_tc_body(%arg0: i32, %arg1: memref<2x1264x128xf32, #tpu.memory_space<vmem>>, %arg2: memref<1264x1xf32, #tpu.memory_space<vmem>>, %arg3: memref<128x128xf32, #tpu.memory_space<vmem>>, %arg4: memref<128x128xf32, #tpu.memory_space<vmem>>, %arg5: memref<1x128xf32, #tpu.memory_space<vmem>>, %arg6: memref<1x128xf32, #tpu.memory_space<vmem>>, %arg7: memref<1264x128xf32, #tpu.memory_space<vmem>>) attributes {dimension_semantics = [#tpu.dimension_semantics<arbitrary>], iteration_bounds = array<i64: 8>, scalar_prefetch = 0 : i64, scratch_operands = 0 : i64, tpu.core_type = #tpu.core_type<tc>, window_params = [{transform_indices = @transform_0, window_bounds = array<i64: 2, 1264, 128>}, {transform_indices = @transform_1, window_bounds = array<i64: 1264, 1>}, {pipeline_mode = #tpu.pipeline_mode<synchronous>, transform_indices = @transform_2, window_bounds = array<i64: 128, 128>}, {pipeline_mode = #tpu.pipeline_mode<synchronous>, transform_indices = @transform_3, window_bounds = array<i64: 128, 128>}, {pipeline_mode = #tpu.pipeline_mode<synchronous>, transform_indices = @transform_4, window_bounds = array<i64: 1, 128>}, {pipeline_mode = #tpu.pipeline_mode<synchronous>, transform_indices = @transform_5, window_bounds = array<i64: 1, 128>}, {transform_indices = @transform_6, window_bounds = array<i64: 1264, 128>}]} {
    %get3A = arith.constant 0 : index
    %get3A_0 = arith.constant 0 : index
    %get3A_1 = vector.load %arg3[%get3A, %get3A_0] : memref<128x128xf32, #tpu.memory_space<vmem>>, vector<128x128xf32>
    %get3A_2 = arith.constant 0 : index
    %get3A_3 = arith.constant 0 : index
    %get3A_4 = vector.load %arg4[%get3A_2, %get3A_3] : memref<128x128xf32, #tpu.memory_space<vmem>>, vector<128x128xf32>
    %dot_general3A = arith.constant dense<0.000000e+00> : vector<128x128xf32>
    %dot_general3A_5 = tpu.matmul %get3A_1, %get3A_4, %dot_general3A {dimension_numbers = #tpu.dot_dimension_numbers<[1], [0], [0], [1], [0, 0, 1, 1], [], []>, precision = #tpu.contract_precision<fp32>, transpose_lhs_hint = false} : vector<128x128xf32>, vector<128x128xf32>, vector<128x128xf32> -> vector<128x128xf32>
    %get3A_6 = arith.constant 0 : index
    %get3A_7 = arith.constant 0 : index
    %get3A_8 = vector.load %arg5[%get3A_6, %get3A_7] : memref<1x128xf32, #tpu.memory_space<vmem>>, vector<1x128xf32>
    %get3A_9 = arith.constant 0 : index
    %get3A_10 = arith.constant 0 : index
    %get3A_11 = vector.load %arg4[%get3A_9, %get3A_10] : memref<128x128xf32, #tpu.memory_space<vmem>>, vector<128x128xf32>
    %dot_general3A_12 = arith.constant dense<0.000000e+00> : vector<1x128xf32>
    %dot_general3A_13 = tpu.matmul %get3A_8, %get3A_11, %dot_general3A_12 {dimension_numbers = #tpu.dot_dimension_numbers<[1], [0], [0], [1], [0, 0, 1, 1], [], []>, precision = #tpu.contract_precision<fp32>, transpose_lhs_hint = false} : vector<1x128xf32>, vector<128x128xf32>, vector<1x128xf32> -> vector<1x128xf32>
    %get3A_14 = arith.constant 0 : index
    %get3A_15 = arith.constant 0 : index
    %get3A_16 = arith.constant 0 : index
    %get3A_17 = vector.load %arg1[%get3A_14, %get3A_15, %get3A_16] : memref<2x1264x128xf32, #tpu.memory_space<vmem>>, vector<1x1264x128xf32>
    %get3A_18 = vector.shape_cast %get3A_17 : vector<1x1264x128xf32> to vector<1264x128xf32>
    %get3A_19 = arith.constant 1 : index
    %get3A_20 = arith.constant 0 : index
    %get3A_21 = arith.constant 0 : index
    %get3A_22 = vector.load %arg1[%get3A_19, %get3A_20, %get3A_21] : memref<2x1264x128xf32, #tpu.memory_space<vmem>>, vector<1x1264x128xf32>
    %get3A_23 = vector.shape_cast %get3A_22 : vector<1x1264x128xf32> to vector<1264x128xf32>
    %add3A = arith.addf %get3A_18, %get3A_23 : vector<1264x128xf32>
    %get3A_24 = arith.constant 0 : index
    %get3A_25 = arith.constant 0 : index
    %get3A_26 = vector.load %arg2[%get3A_24, %get3A_25] : memref<1264x1xf32, #tpu.memory_space<vmem>>, vector<1264x1xf32>
    %dot_general3A_27 = arith.constant dense<0.000000e+00> : vector<1264x128xf32>
    %dot_general3A_28 = tpu.matmul %add3A, %dot_general3A_5, %dot_general3A_27 {dimension_numbers = #tpu.dot_dimension_numbers<[1], [0], [0], [1], [0, 0, 1, 1], [], []>, precision = #tpu.contract_precision<fp32>, transpose_lhs_hint = false} : vector<1264x128xf32>, vector<128x128xf32>, vector<1264x128xf32> -> vector<1264x128xf32>
    %max3A = arith.constant 1.000000e+00 : f32
    %max3A_29 = vector.broadcast %max3A : f32 to vector<1264x1xf32>
    %max3A_30 = arith.maximumf %get3A_26, %max3A_29 : vector<1264x1xf32>
    %div3A = arith.constant 1.000000e+00 : f32
    %div3A_31 = vector.broadcast %div3A : f32 to vector<1264x1xf32>
    %div3A_32 = arith.divf %div3A_31, %max3A_30 : vector<1264x1xf32>
    %gt3A = arith.constant 0.000000e+00 : f32
    %gt3A_33 = vector.broadcast %gt3A : f32 to vector<1264x1xf32>
    %gt3A_34 = arith.cmpf ogt, %get3A_26, %gt3A_33 : vector<1264x1xf32>
    %jit3A = arith.constant 1.000000e+00 : f32
    %jit3A_35 = arith.constant 0.000000e+00 : f32
    %broadcast_in_dim3A = vector.broadcast %jit3A : f32 to vector<1264x1xf32>
    %broadcast_in_dim3A_36 = vector.broadcast %jit3A_35 : f32 to vector<1264x1xf32>
    %select_n3A = arith.select %gt3A_34, %broadcast_in_dim3A, %broadcast_in_dim3A_36 : vector<1264x1xi1>, vector<1264x1xf32>
    %mul3A = vector.broadcast %div3A_32 : vector<1264x1xf32> to vector<1264x128xf32>
    %mul3A_37 = arith.mulf %dot_general3A_28, %mul3A : vector<1264x128xf32>
    %mul3A_38 = vector.broadcast %select_n3A : vector<1264x1xf32> to vector<1264x128xf32>
    %mul3A_39 = vector.broadcast %dot_general3A_13 : vector<1x128xf32> to vector<1264x128xf32>
    %mul3A_40 = arith.mulf %mul3A_38, %mul3A_39 : vector<1264x128xf32>
    %add3A_41 = arith.addf %mul3A_37, %mul3A_40 : vector<1264x128xf32>
    %get3A_42 = arith.constant 0 : index
    %get3A_43 = arith.constant 0 : index
    %get3A_44 = vector.load %arg6[%get3A_42, %get3A_43] : memref<1x128xf32, #tpu.memory_space<vmem>>, vector<1x128xf32>
    %add3A_45 = vector.broadcast %get3A_44 : vector<1x128xf32> to vector<1264x128xf32>
    %add3A_46 = arith.addf %add3A_41, %add3A_45 : vector<1264x128xf32>
    %max3A_47 = arith.constant 0.000000e+00 : f32
    %max3A_48 = vector.broadcast %max3A_47 : f32 to vector<1264x128xf32>
    %max3A_49 = arith.maximumf %add3A_46, %max3A_48 : vector<1264x128xf32>
    %swap3A = arith.constant 0 : index
    %swap3A_50 = arith.constant 0 : index
    %swap3A_51 = vector.load %arg7[%swap3A, %swap3A_50] : memref<1264x128xf32, #tpu.memory_space<vmem>>, vector<1264x128xf32>
    tpu.vector_store %arg7[%swap3A, %swap3A_50], %max3A_49 {strides = array<i32>} : memref<1264x128xf32, #tpu.memory_space<vmem>>, vector<1264x128xf32>,
    return
  }
  func.func @transform_0(%arg0: i32) -> (i32, i32, i32) {
    %c0_i32 = arith.constant 0 : i32
    %c0_i32_0 = arith.constant 0 : i32
    %c0_i32_1 = arith.constant 0 : i32
    return %c0_i32, %arg0, %c0_i32_0 : i32, i32, i32
  }
  func.func @transform_1(%arg0: i32) -> (i32, i32) {
    %c0_i32 = arith.constant 0 : i32
    %c0_i32_0 = arith.constant 0 : i32
    return %arg0, %c0_i32 : i32, i32
  }
  func.func @transform_2(%arg0: i32) -> (i32, i32) {
    %c0_i32 = arith.constant 0 : i32
    %c0_i32_0 = arith.constant 0 : i32
    %c0_i32_1 = arith.constant 0 : i32
    return %c0_i32, %c0_i32_0 : i32, i32
  }
  func.func @transform_3(%arg0: i32) -> (i32, i32) {
    %c0_i32 = arith.constant 0 : i32
    %c0_i32_0 = arith.constant 0 : i32
    %c0_i32_1 = arith.constant 0 : i32
    return %c0_i32, %c0_i32_0 : i32, i32
  }
  func.func @transform_4(%arg0: i32) -> (i32, i32) {
    %c0_i32 = arith.constant 0 : i32
    %c0_i32_0 = arith.constant 0 : i32
    %c0_i32_1 = arith.constant 0 : i32
    return %c0_i32, %c0_i32_0 : i32, i32
  }
  func.func @transform_5(%arg0: i32) -> (i32, i32) {
    %c0_i32 = arith.constant 0 : i32
    %c0_i32_0 = arith.constant 0 : i32
    %c0_i32_1 = arith.constant 0 : i32
    return %c0_i32, %c0_i32_0 : i32, i32
  }
  func.func @transform_6(%arg0: i32) -> (i32, i32) {
    %c0_i32 = arith.constant 0 : i32
    %c0_i32_0 = arith.constant 0 : i32
    return %arg0, %c0_i32 : i32, i32
  }
}

</mosaic_0001>

<sc_bundles>
// kernel: kernel.5.cloned.1.call-start
scs
__scs_entry_jumppad:
0x0: {  	(pc) =	sbr.rel $0x88, $3  }
0x1: {  	(tag) =	ssettag $0x0;
	lr =	simm.s32 $0x1  }
0x2: {  	[smem:$0x3F9B] =	sst lr;
	_ =	strace $0xD0000000  }
0x3: {  	_ = 	snop  }
0x4: {  	_ = 	snop  }
0x5: {  	_ = 	snop  }
0x6: {  	_ = 	snop  }
0x7: {  	_ = 	snop  }
__scs_overlays_trampoline_lowered:
0x8: {  	[smem:$0x3FAA] =	sst s0  }
0x9: {  	[smem:$0x3FAB] =	sst s1  }
0xa: {  	[smem:$0x3FAC] =	sst s2  }
0xb: {  	[smem:$0x3FAD] =	sst s3  }
0xc: {  	[smem:$0x3FAE] =	sst s4  }
0xd: {  	[smem:$0x3FAF] =	sst s5  }
0xe: {  	[smem:$0x3FB0] =	sst s6  }
0xf: {  	[smem:$0x3FB1] =	sst s7  }
0x10: {  	[smem:$0x3FB2] =	sst s8  }
0x11: {  	[smem:$0x3FB3] =	sst s9;
	s0 =	simm.s32 @!p0 $0x0  }
0x12: {  	s1 =	sld [smem:$0x3F99];
	s0 =	simm.s32 @p0 $0x1  }
0x13: {  	[smem:$0x3FB4] =	sst s0;
	s0 =	simm.s32 @!p1 $0x0  }
0x14: {  	s2 =	sld [smem:$0x3F98];
	s0 =	simm.s32 @p1 $0x1  }
0x15: {  	[smem:$0x3FB5] =	sst s0;
	s0 =	simm.s32 @!p2 $0x0  }
0x16: {  	s3 =	sld [smem:$0x3FDB];
	s0 =	simm.s32 @p2 $0x1  }
0x17: {  	s4 =	simm.s32 $0x1BF5;
	[smem:$0x3FB7] =	sst s0  }
0x18: {  	s0 =	sld [smem:$0x3F9A];
	_ =	swait.ge [sflag:s4], $0x0  }
0x19: {  	s7 =	sld [smem:$0x3F9B]  }
0x1a: {  	s8 =	sadd.s32 $0xFFFFE003, lr  }
0x1b: {  	s9 =	sadd.s32 $0xFFFFFEF7, lr;
	s5 =	simm.s32 $0xFFFFFFFF;
	p2 =	slt.u32 s8, $0xFFFFF086  }
0x1c: {  	p1 =	slt.u32 s9, $0xF7A;
	s5 =	simm.s32 @!p2 $0x0  }
0x1d: {  	s5 =	simm.s32 @p1 $0x1;
	p0 =	seq.s32 s7, s2  }
0x1e: {  	s7 =	smul.u32 @!p0 $0xF7A, s2;
	p2 =	seq.s32 @!p0 s5, $0x0  }
0x1f: {  	s9 =	smul.u32 $0xF7A, s1;
	s8 =	simm.s32 @!p0 $0x1BF5;
	p2 =	por !p2, p0  }
0x20: {  	[sflag:s8] =	ssyncset.s32 @!p0 $0xFFFFF086;
	s6 =	sadd.s32 @!p0 s3, s7;
	s7 =	simm.s32 @!p0 $0x108  }
0x21: {  	s3 =	sadd.s32 s3, s9;
	s6 =	sadd.s32 @!p0 $0x88, s6;
	s7 =	simm.s32 @p2 $0x1082  }
0x22: {  	[simem:s7], [sflag:s8] =	dma.local @!p0 [hbm:s6], $0xF7A  }
0x23: {  	s9 =	sor.u32 $0xD0000000, s2;
	s6 =	simm.s32 $0x108;
	_ =	swait.ge @!p0 [sflag:s8], $0x0  }
0x24: {  	s3 =	sadd.s32 $0x88, s3;
	s6 =	simm.s32 @!p1 $0x1082;
	[sflag:s4] =	ssyncset.s32 $0xFFFFF086  }
0x25: {  	[simem:s6], [sflag:s4] =	dma.local [hbm:s3], $0xF7A  }
0x26: {  	[smem:$0x3F9B] =	sst s1;
	(tag) =	ssettag s2;
	_ =	strace s9  }
0x27: {  	s1 =	sld [smem:$0x3FAB]  }
0x28: {  	s2 =	sld [smem:$0x3FAC]  }
0x29: {  	s4 =	sld [smem:$0x3FAE]  }
0x2a: {  	p0 =	seq.s32 s5, $0x0;
	s5 =	sld [smem:$0x3FAF]  }
0x2b: {  	s6 =	sld [smem:$0x3FB0]  }
0x2c: {  	s7 =	sld [smem:$0x3FB1]  }
0x2d: {  	s3 =	simm.s32 $0x108;
	s8 =	sld [smem:$0x3FB2]  }
0x2e: {  	s3 =	simm.s32 @!p0 $0x1082;
	s9 =	sld [smem:$0x3FB3]  }
0x2f: {  	lr =	sadd.s32 s0, s3;
	s0 =	sld [smem:$0x3FAA]  }
0x30: {  	s3 =	sld [smem:$0x3FAD]  }
0x31: {  	[smem:$0x3FB6] =	sst s10  }
0x32: {  	s10 =	sld [smem:$0x3FB4];
	_ =	sdelay $0x3  }
0x33: {  	p0 =	seq.s32 s10, $0x1;
	s10 =	sld [smem:$0x3FB6];
	_ =	sdelay $0x3  }
0x34: {  	[smem:$0x3FB6] =	sst s10  }
0x35: {  	s10 =	sld [smem:$0x3FB5];
	_ =	sdelay $0x3  }
0x36: {  	p1 =	seq.s32 s10, $0x1;
	s10 =	sld [smem:$0x3FB6];
	_ =	sdelay $0x3  }
0x37: {  	[smem:$0x3FB6] =	sst s10  }
0x38: {  	s10 =	sld [smem:$0x3FB7]  }
0x39: {  	_ = 	snop;
	(pc) =	sbr.ind lr, $3  }
0x3a: {  	_ = 	snop  }
0x3b: {  	_ = 	snop  }
0x3c: {  	p2 =	seq.s32 s10, $0x1;
	s10 =	sld [smem:$0x3FB6]  }
0x3d: {  	_ =	shalt  }
0x3e: {  	_ =	shalt  }
0x3f: {  	_ =	shalt  }
0x40: {  	_ =	shalt  }
0x41: {  	_ =	shalt  }
0x42: {  	_ =	shalt  }
0x43: {  	_ =	shalt  }
0x44: {  	_ =	shalt  }
0x45: {  	_ =	shalt  }
0x46: {  	_ =	shalt  }
0x47: {  	_ =	shalt  }
0x48: {  	_ =	shalt  }
0x49: {  	_ =	shalt  }
0x4a: {  	_ =	shalt  }
0x4b: {  	_ =	shalt  }
0x4c: {  	_ =	shalt  }
0x4d: {  	_ =	shalt  }
0x4e: {  	_ =	shalt  }
0x4f: {  	_ =	shalt  }
0x50: {  	_ =	shalt  }
0x51: {  	_ =	shalt  }
0x52: {  	_ =	shalt  }
0x53: {  	_ =	shalt  }
0x54: {  	_ =	shalt  }
0x55: {  	_ =	shalt  }
0x56: {  	_ =	shalt  }
0x57: {  	_ =	shalt  }
0x58: {  	_ =	shalt  }
0x59: {  	_ =	shalt  }
0x5a: {  	_ =	shalt  }
0x5b: {  	_ =	shalt  }
0x5c: {  	_ =	shalt  }
0x5d: {  	_ =	shalt  }
0x5e: {  	_ =	shalt  }
0x5f: {  	_ =	shalt  }
0x60: {  	_ =	shalt  }
0x61: {  	_ =	shalt  }
0x62: {  	_ =	shalt  }
0x63: {  	_ =	shalt  }
0x64: {  	_ =	shalt  }
0x65: {  	_ =	shalt  }
0x66: {  	_ =	shalt  }
0x67: {  	_ =	shalt  }
0x68: {  	_ =	shalt  }
0x69: {  	_ =	shalt  }
0x6a: {  	_ =	shalt  }
0x6b: {  	_ =	shalt  }
0x6c: {  	_ =	shalt  }
0x6d: {  	_ =	shalt  }
0x6e: {  	_ =	shalt  }
0x6f: {  	_ =	shalt  }
0x70: {  	_ =	shalt  }
0x71: {  	_ =	shalt  }
0x72: {  	_ =	shalt  }
0x73: {  	_ =	shalt  }
0x74: {  	_ =	shalt  }
0x75: {  	_ =	shalt  }
0x76: {  	_ =	shalt  }
0x77: {  	_ =	shalt  }
0x78: {  	_ =	shalt  }
0x79: {  	_ =	shalt  }
0x7a: {  	_ =	shalt  }
0x7b: {  	_ =	shalt  }
0x7c: {  	_ =	shalt  }
0x7d: {  	_ =	shalt  }
0x7e: {  	_ =	shalt  }
0x7f: {  	_ =	shalt  }
0x80: {  	_ =	shalt  }
0x81: {  	_ =	shalt  }
0x82: {  	_ =	shalt  }
0x83: {  	_ =	shalt  }
0x84: {  	_ =	shalt  }
0x85: {  	_ =	shalt  }
0x86: {  	_ =	shalt  }
0x87: {  	_ =	shalt  }
.Lfunc_end0:
.L_simem_size_0:
called_computation_lowered:
.L_overlay_start_0:
0x88: {  	s2 =	sld [smem:$0x3FD9]  }
0x89: {  	s3 =	sld [smem:$0x3FFE];
	_ =	sdelay $0x1  }
0x8a: {  	s1 =	srdreg.scid  }
0x8b: {  	s0 =	sand.u32 $0x1, s1  }
0x8c: {  	s17 =	sshll.u32 s0, $0xA;
	s2 =	sadd.s32 s3, s2  }
0x8d: {  	s2 =	sadd.s32 s2, s17  }
0x8e: {  	[smem:$0x3FC2] =	sst s2  }
0x8f: {  	_ = 	snop  }
0x90: {  	s2 =	sld [smem:$0x3FC9]  }
0x91: {  	s18 =	sld [smem:$0x3FD0];
	(tm) =	ssettm $0x1  }
0x92: {  	s4 =	sld [smem:$0x3FFB];
	_ =	sdelay $0x3  }
0x93: {  	_ =	strace s4  }
0x94: {  	s4 =	sld [smem:$0x3FFC];
	_ =	sdelay $0x3  }
0x95: {  	_ =	strace s4  }
0x96: {  	s4 =	sld [smem:$0x3FFD];
	_ =	sdelay $0x3  }
0x97: {  	_ =	strace s4  }
0x98: {  	_ =	strace $0x8FFFFFFF  }
0x99: {  	s19 =	sld [smem:$0x3FDB];
	_ =	sdelay $0x1  }
0x9a: {  	s5 =	simm.s32 $_scs_section_size  }
0x9b: {  	s6 =	simm.s32 $_size__tile_overlayer_lowered;
	s7 =	simm.s32 $_tile_overlayer_lowered  }
0x9c: {  	s22 =	simm.s32 $0x1BFF;
	s21 =	sshll.u32 s7, $0x1;
	s4 =	sadd.s32 s5, s19  }
0x9d: {  	s8 =	simm.s32 $0x0;
	s20 =	sshll.u32 s6, $0x1;
	s6 =	sadd.s32 s21, s4  }
0x9e: {  	[timem:s8], [sflag:s22] =	dma.local [hbm:s6], s20  }
0x9f: {  	_ =	swait.ge [sflag:s22], s20  }
0xa0: {  	s5 =	ssub.s32 $0x0, s20;
	[sflag:s22] =	ssyncset.done $0x0  }
0xa1: {  	[sflag:s22] =	ssyncadd.s32 s5;
	_ =	sdelay $0x1  }
0xa2: {  	s23 =	simm.s32 $0x1B8B  }
0xa3: {  	_ =	swait.ge [sflag:s23], $0x1  }
0xa4: {  	[sflag:s23] =	ssyncset.done $0x0  }
0xa5: {  	s25 =	simm.s32 $0x1B8E;
	s24 =	sld [smem:$0x3FFE];
	[sflag:s23] =	ssyncadd.s32 $0xFFFFFFFF  }
0xa6: {  	s26 =	simm.s32 $execute0_lowered;
	[smem:$0x3FD2] =	sst s25  }
0xa7: {  	s6 =	sshll.u32 s26, $0x1;
	_ =	strace $0x80000046;
	[dreg:$0x1] =	wrdreg $0xFFFFFFFF  }
0xa8: {  	s28 =	simm.s32 $_size_execute0_lowered;
	s4 =	sadd.s32 s4, s6;
	[dreg:$0x0] =	wrdreg $0x0  }
0xa9: {  	s6 =	sshll.u32 s28, $0x1;
	[dreg:$0x2] =	wrdreg s4  }
0xaa: {  	[dreg:$0x3] =	wrdreg s6  }
0xab: {  	[dreg:$0x4] =	wrdreg $0xC0  }
0xac: {  	_ =	task [dreg:s8], $0x5FFFF  }
0xad: {  	[dreg:$0x1] =	wrdreg $0xFFFFFFFF  }
0xae: {  	[dreg:$0x0] =	wrdreg $0x60  }
0xaf: {  	[dreg:$0x2] =	wrdreg s2  }
0xb0: {  	[dreg:$0x3] =	wrdreg s18  }
0xb1: {  	[dreg:$0x4] =	wrdreg s24  }
0xb2: {  	[dreg:$0x5] =	wrdreg $0x0  }
0xb3: {  	[dreg:$0x6] =	wrdreg $0x9  }
0xb4: {  	_ =	task.clear_ibuf [dreg:s8], $0x7FFFF;
	_ =	strace $0x90000046  }
0xb5: {  	s29 =	simm.s32 $0x9;
	_ =	strace $0x80000048  }
0xb6: {  	_ =	swait.ge [sflag:s29], $0x1  }
0xb7: {  	[sflag:s29] =	ssyncadd.s32 $0xFFFFFFFF  }
0xb8: {  	_ =	strace $0x90000048  }
0xb9: {  	_ =	sfence  }
0xba: {  	s30 =	sld [smem:$0x0];
	_ =	sdelay $0x2  }
0xbb: {  	s31 =	sshll.u32 s1, $0xD;
	s1 =	sshrl.u32 s1, $0x2  }
0xbc: {  	s3 =	sand.u32 $0x4000, s31;
	s1 =	sadd.s32 s1, s30  }
0xbd: {  	s0 =	sor.u32 s3, s0;
	s1 =	sshll.u32 s1, $0x11  }
0xbe: {  	s0 =	sor.u32 s1, s0  }
0xbf: {  	s0 =	sadd.s32 $0x8F2B, s0  }
0xc0: {  	[sflag:s0] =	ssyncadd.remote.s32 $0x1  }
0xc1: {  	_ =	sfence.sel $0xFFFF  }
0xc2: {  	[dreg:$0x0] =	wrdreg $0xFFFFFFFF;
	(pc) =	sbr.abs _section_cstart, $3  }
0xc3: {  	[dreg:$0x1] =	wrdreg $0xFFFFFFFF  }
0xc4: {  	_ =	task.clear_ibuf [dreg:s8], $0x2FFFF;
	_ =	strace $0x9FFFFFFF  }
0xc5: {  	(tm) =	ssettm $0x7FFFFFFF  }
tec
execute0_lowered:
.L_overlay_start_1:
0x0: {  	(tag) =	ssettag $0x1  }
0x1: {  	s1 =	rddreg [dreg:$0x0]  }
0x2: {  	s7 =	rddreg [dreg:$0x1]  }
0x3: {  	s6 =	rddreg [dreg:$0x2]  }
0x4: {  	s0 =	srdreg.scid;
	s3 =	rddreg [dreg:$0x3];
	s4 =	simm.s32 $0x0  }
0x5: {  	s15 =	simm.s32 $0x17800;
	s16 =	simm.s32 $0x3;
	s17 =	simm.s32 $0x13C00  }
0x6: {  	s18 =	simm.s32 $0x16400;
	s19 =	simm.s32 $0x80;
	s20 =	simm.s32 $0x1  }
0x7: {  	s21 =	simm.s32 $0x1B800;
	s22 =	simm.s32 $0x2;
	s23 =	simm.s32 $0x15000  }
0x8: {  	s24 =	simm.s32 $0x16380;
	s25 =	simm.s32 $0x17700;
	s5 =	sand.u32 $0x1, s0  }
0x9: {  	s26 =	simm.s32 $0x17780;
	s0 =	stileid.u32;
	s9 =	smul.u32 $0x13C000, s5  }
0xa: {  	[smem:$0x7FF] =	sst s4;
	s2 =	sshll.u32 s5, $0x4;
	s10 =	smul.u32 $0x13C00, s0  }
0xb: {  	s11 =	smul.u32 $0x4F000, s0;
	s5 =	ssub.s32 $0x2, s5;
	s2 =	sor.u32 s0, s2  }
0xc: {  	s31 =	sshrl.u32 s5, $0x1;
	s8 =	smul.u32 $0x2800, s2;
	s2 =	rddreg [dreg:$0x4]  }
0xd: {  	_ =	strace $0x80000047;
	s9 =	sadd.s32 s10, s9;
	s11 =	sshrl.u32 s11, $0x2  }
0xe: {  	s14 =	ssub.s32 s5, s31;
	s9 =	sshrl.u32 s9, $0x3;
	s5 =	sadd.s32 s11, s3  }
0xf: {  	s11 =	smax.u32 s14, $0x1;
	s8 =	sshrl.u32 s8, $0x3;
	s13 =	sadd.s32 s9, s6  }
0x10: {  	s14 =	sadd.s32 $0xC000, s5;
	s12 =	sadd.s32 s8, s6;
	s6 =	sadd.s32 $0x10000, s5  }
0x11: {  	s7 =	sadd.s32 s7, s8;
	s10 =	sadd.s32 $0xA800, s13;
	s13 =	sadd.s32 $0x8000, s5  }
0x12: {  	v0 =	vimm.f32 $0.0e+00;
	s8 =	sadd.s32 $0x800, s12;
	s9 =	sadd.s32 $0xA80, s12;
	s12 =	sadd.s32 $0x4000, s5  }
.LBB2_1:
0x13: {  	s28 =	simm.s32 $0x0;
	s29 =	simm.s32 $0x200  }
.LBB2_2:
0x14: {  	p0 =	sne.s32 s29, $0xFE00;
	[tilespmem:s28+$0x17870] =	vst v0  }
0x15: {  	[tilespmem:s28+$0x17800] =	vst v0  }
0x16: {  	[tilespmem:s28+$0x17810] =	vst v0  }
.Ltmp0:
0x17: {  	[tilespmem:s28+$0x17820] =	vst v0;
	(pc) =	sbr.rel @p0 .LBB2_2-.Ltmp0, $4  }
0x18: {  	[tilespmem:s28+$0x17830] =	vst v0  }
0x19: {  	[tilespmem:s28+$0x17840] =	vst v0  }
0x1a: {  	[tilespmem:s28+$0x17850] =	vst v0  }
0x1b: {  	[tilespmem:s28+$0x17860] =	vst v0;
	s28 =	sshra.s32 s29, $0x2;
	s29 =	sadd.s32 $0x200, s29  }
0x1c: {  	[tilespmem:s28+$0x17870] =	vst v0  }
0x1d: {  	[tilespmem:s28+$0x17800] =	vst v0  }
0x1e: {  	[tilespmem:s28+$0x17810] =	vst v0  }
0x1f: {  	[tilespmem:s28+$0x17820] =	vst v0  }
0x20: {  	[tilespmem:s28+$0x17830] =	vst v0  }
0x21: {  	[tilespmem:s28+$0x17840] =	vst v0  }
0x22: {  	[tilespmem:s28+$0x17850] =	vst v0  }
0x23: {  	[tilespmem:s28+$0x17860] =	vst v0  }
0x24: {  	[spmem:s5] =	stream.linear.scatter [tilespmem:s15], [sflag:$0x3], $0x4000, $0x38;
	[tilespmem:$0x1F800] =	vst v63  }
0x25: {  	_ =	swait.ge [sflag:s16], $0x4000  }
0x26: {  	[sflag:s16] =	ssyncset.done $0x0  }
0x27: {  	[sflag:s16] =	ssyncadd.s32 $0xFFFFC000  }
0x28: {  	[spmem:s12] =	stream.linear.scatter [tilespmem:s15], [sflag:$0x3], $0x4000, $0x38;
	[tilespmem:$0x1F800] =	vst v63  }
0x29: {  	_ =	swait.ge [sflag:s16], $0x4000  }
0x2a: {  	[sflag:s16] =	ssyncset.done $0x0  }
0x2b: {  	[sflag:s16] =	ssyncadd.s32 $0xFFFFC000  }
0x2c: {  	[spmem:s13] =	stream.linear.scatter [tilespmem:s15], [sflag:$0x3], $0x4000, $0x38;
	[tilespmem:$0x1F800] =	vst v63  }
0x2d: {  	_ =	swait.ge [sflag:s16], $0x4000  }
0x2e: {  	[sflag:s16] =	ssyncset.done $0x0  }
0x2f: {  	[sflag:s16] =	ssyncadd.s32 $0xFFFFC000  }
0x30: {  	[spmem:s14] =	stream.linear.scatter [tilespmem:s15], [sflag:$0x3], $0x4000, $0x38;
	[tilespmem:$0x1F800] =	vst v63  }
0x31: {  	_ =	swait.ge [sflag:s16], $0x4000  }
0x32: {  	[sflag:s16] =	ssyncset.done $0x0  }
0x33: {  	[sflag:s16] =	ssyncadd.s32 $0xFFFFC000  }
0x34: {  	[spmem:s6] =	stream.linear.scatter [tilespmem:s15], [sflag:$0x3], $0x3C00, $0x38;
	[tilespmem:$0x1F800] =	vst v63  }
0x35: {  	_ =	swait.ge [sflag:s16], $0x3C00  }
0x36: {  	[sflag:s16] =	ssyncset.done $0x0  }
0x37: {  	s28 =	simm.s32 $0x0;
	[sflag:s16] =	ssyncadd.s32 $0xFFFFC400  }
0x38: {  	[tilespmem:s17], [sflag:$0x3] =	stream.linear.gather [hbm4b:s7+s28], $0x2800, $0x38;
	[tilespmem:$0x1F800] =	vst v63  }
0x39: {  	_ =	swait.ge [sflag:s16], $0x2800  }
0x3a: {  	[sflag:s16] =	ssyncset.done $0x0  }
0x3b: {  	[sflag:s16] =	ssyncadd.s32 $0xFFFFD800  }
0x3c: {  	[bflag:$0x0] =	sbarrier.arrive $0xFFFF  }
0x3d: {  	[tilespmem:s18], [sflag:$0x3] =	stream.linear.gather [hbm4b:s8+s28], $0x1400, $0x38;
	[tilespmem:$0x1F800] =	vst v63  }
0x3e: {  	_ =	swait.ge [sflag:s16], $0x1400  }
0x3f: {  	[sflag:s16] =	ssyncset.done $0x0  }
0x40: {  	[sflag:s16] =	ssyncadd.s32 $0xFFFFEC00  }
0x41: {  	[tilespmem:s15], [sflag:$0x1] =	stream.indirect.gather [hbm4b:s1+s19], $0x80, s17, s19, $0xb8;
	[tilespmem:$0x1F800] =	vst v63  }
0x42: {  	_ =	swait.ge [sflag:s20], $0x4000  }
0x43: {  	[sflag:s20] =	ssyncset.done $0x0  }
0x44: {  	s28 =	simm.s32 $0x13C80;
	[sflag:s20] =	ssyncadd.s32 $0xFFFFC000  }
0x45: {  	[tilespmem:s21], [sflag:$0x2] =	stream.indirect.gather [hbm4b:s1+s19], $0x80, s28, s19, $0xb8;
	[tilespmem:$0x1F800] =	vst v63  }
0x46: {  	s28 =	simm.s32 $0x16400  }
0x47: {  	[spmem:s3] =	stream.indirect.scatter.add.f32 [tilespmem:s15], [sflag:$0x3], $0x80, s28, s19, $0xb8;
	[tilespmem:$0x1F800] =	vst v63  }
0x48: {  	_ =	swait.ge [sflag:s16], $0x4000  }
0x49: {  	[sflag:s16] =	ssyncset.done $0x0  }
0x4a: {  	[sflag:s16] =	ssyncadd.s32 $0xFFFFC000  }
0x4b: {  	_ =	swait.ge [sflag:s22], $0x4000  }
0x4c: {  	[sflag:s22] =	ssyncset.done $0x0  }
0x4d: {  	s28 =	simm.s32 $0x13D00;
	[sflag:s22] =	ssyncadd.s32 $0xFFFFC000  }
0x4e: {  	[tilespmem:s15], [sflag:$0x1] =	stream.indirect.gather [hbm4b:s1+s19], $0x80, s28, s19, $0xb8;
	[tilespmem:$0x1F800] =	vst v63  }
0x4f: {  	s28 =	simm.s32 $0x16480  }
0x50: {  	[spmem:s3] =	stream.indirect.scatter.add.f32 [tilespmem:s21], [sflag:$0x3], $0x80, s28, s19, $0xb8;
	[tilespmem:$0x1F800] =	vst v63  }
0x51: {  	_ =	swait.ge [sflag:s16], $0x4000  }
0x52: {  	s28 =	simm.s32 $0x400;
	[sflag:s16] =	ssyncset.done $0x0  }
.LBB2_4:
0x53: {  	p0 =	sne.s32 s28, $0x4C00  }
0x54: {  	[sflag:s16] =	ssyncadd.s32 $0xFFFFC000;
	s29 =	smov.u32 s28;
	s28 =	sadd.s32 $0x400, s28  }
0x55: {  	_ = 	snop  }
0x56: {  	_ =	swait.ge [sflag:s20], $0x4000  }
0x57: {  	s29 =	sshra.s32 s29, $0x2;
	[sflag:s20] =	ssyncset.done $0x0  }
0x58: {  	s30 =	sadd.s32 $0x13C80, s29;
	[sflag:s20] =	ssyncadd.s32 $0xFFFFC000  }
0x59: {  	[tilespmem:s21], [sflag:$0x2] =	stream.indirect.gather [hbm4b:s1+s19], $0x80, s30, s19, $0xb8;
	[tilespmem:$0x1F800] =	vst v63  }
0x5a: {  	s30 =	sadd.s32 $0x16400, s29  }
0x5b: {  	[spmem:s3] =	stream.indirect.scatter.add.f32 [tilespmem:s15], [sflag:$0x3], $0x80, s30, s19, $0xb8;
	[tilespmem:$0x1F800] =	vst v63  }
0x5c: {  	_ =	swait.ge [sflag:s16], $0x4000  }
0x5d: {  	[sflag:s16] =	ssyncset.done $0x0  }
0x5e: {  	[sflag:s16] =	ssyncadd.s32 $0xFFFFC000  }
0x5f: {  	_ =	swait.ge [sflag:s22], $0x4000  }
0x60: {  	[sflag:s22] =	ssyncset.done $0x0  }
0x61: {  	s30 =	sadd.s32 $0x13D00, s29;
	[sflag:s22] =	ssyncadd.s32 $0xFFFFC000  }
0x62: {  	[tilespmem:s15], [sflag:$0x1] =	stream.indirect.gather [hbm4b:s1+s19], $0x80, s30, s19, $0xb8;
	[tilespmem:$0x1F800] =	vst v63  }
.Ltmp1:
0x63: {  	_ = 	snop;
	(pc) =	sbr.rel @p0 .LBB2_4-.Ltmp1, $4  }
0x64: {  	s29 =	sadd.s32 $0x16480, s29  }
0x65: {  	[spmem:s3] =	stream.indirect.scatter.add.f32 [tilespmem:s21], [sflag:$0x3], $0x80, s29, s19, $0xb8;
	[tilespmem:$0x1F800] =	vst v63  }
0x66: {  	_ =	swait.ge [sflag:s16], $0x4000  }
0x67: {  	[sflag:s16] =	ssyncset.done $0x0  }
0x68: {  	[sflag:s16] =	ssyncadd.s32 $0xFFFFC000  }
0x69: {  	_ =	swait.ge [sflag:s20], $0x4000  }
0x6a: {  	[sflag:s20] =	ssyncset.done $0x0  }
0x6b: {  	s28 =	simm.s32 $0x0;
	[sflag:s20] =	ssyncadd.s32 $0xFFFFC000  }
0x6c: {  	[tilespmem:s18], [sflag:$0x3] =	stream.linear.gather [hbm4b:s9+s28], $0x1400, $0x38;
	[tilespmem:$0x1F800] =	vst v63  }
0x6d: {  	_ =	swait.ge [sflag:s16], $0x1400  }
0x6e: {  	[sflag:s16] =	ssyncset.done $0x0  }
0x6f: {  	[sflag:s16] =	ssyncadd.s32 $0xFFFFEC00  }
0x70: {  	[tilespmem:s15], [sflag:$0x1] =	stream.indirect.gather [hbm4b:s1+s19], $0x80, s23, s19, $0xb8;
	[tilespmem:$0x1F800] =	vst v63  }
0x71: {  	_ =	swait.ge [sflag:s20], $0x4000  }
0x72: {  	[sflag:s20] =	ssyncset.done $0x0  }
0x73: {  	s28 =	simm.s32 $0x15080;
	[sflag:s20] =	ssyncadd.s32 $0xFFFFC000  }
0x74: {  	[tilespmem:s21], [sflag:$0x2] =	stream.indirect.gather [hbm4b:s1+s19], $0x80, s28, s19, $0xb8;
	[tilespmem:$0x1F800] =	vst v63  }
0x75: {  	s28 =	simm.s32 $0x16400  }
0x76: {  	[spmem:s3] =	stream.indirect.scatter.add.f32 [tilespmem:s15], [sflag:$0x3], $0x80, s28, s19, $0xb8;
	[tilespmem:$0x1F800] =	vst v63  }
0x77: {  	_ =	swait.ge [sflag:s16], $0x4000  }
0x78: {  	[sflag:s16] =	ssyncset.done $0x0  }
0x79: {  	[sflag:s16] =	ssyncadd.s32 $0xFFFFC000  }
0x7a: {  	_ =	swait.ge [sflag:s22], $0x4000  }
0x7b: {  	[sflag:s22] =	ssyncset.done $0x0  }
0x7c: {  	s28 =	simm.s32 $0x15100;
	[sflag:s22] =	ssyncadd.s32 $0xFFFFC000  }
0x7d: {  	[tilespmem:s15], [sflag:$0x1] =	stream.indirect.gather [hbm4b:s1+s19], $0x80, s28, s19, $0xb8;
	[tilespmem:$0x1F800] =	vst v63  }
0x7e: {  	s28 =	simm.s32 $0x16480  }
0x7f: {  	[spmem:s3] =	stream.indirect.scatter.add.f32 [tilespmem:s21], [sflag:$0x3], $0x80, s28, s19, $0xb8;
	[tilespmem:$0x1F800] =	vst v63  }
0x80: {  	_ =	swait.ge [sflag:s16], $0x4000  }
0x81: {  	s28 =	simm.s32 $0x400;
	[sflag:s16] =	ssyncset.done $0x0  }
.LBB2_6:
0x82: {  	p0 =	sne.s32 s28, $0x4800  }
0x83: {  	[sflag:s16] =	ssyncadd.s32 $0xFFFFC000;
	s29 =	smov.u32 s28;
	s28 =	sadd.s32 $0x400, s28  }
0x84: {  	_ = 	snop  }
0x85: {  	_ =	swait.ge [sflag:s20], $0x4000  }
0x86: {  	s29 =	sshra.s32 s29, $0x2;
	[sflag:s20] =	ssyncset.done $0x0  }
0x87: {  	s30 =	sadd.s32 $0x15080, s29;
	[sflag:s20] =	ssyncadd.s32 $0xFFFFC000  }
0x88: {  	[tilespmem:s21], [sflag:$0x2] =	stream.indirect.gather [hbm4b:s1+s19], $0x80, s30, s19, $0xb8;
	[tilespmem:$0x1F800] =	vst v63  }
0x89: {  	s30 =	sadd.s32 $0x16400, s29  }
0x8a: {  	[spmem:s3] =	stream.indirect.scatter.add.f32 [tilespmem:s15], [sflag:$0x3], $0x80, s30, s19, $0xb8;
	[tilespmem:$0x1F800] =	vst v63  }
0x8b: {  	_ =	swait.ge [sflag:s16], $0x4000  }
0x8c: {  	[sflag:s16] =	ssyncset.done $0x0  }
0x8d: {  	[sflag:s16] =	ssyncadd.s32 $0xFFFFC000  }
0x8e: {  	_ =	swait.ge [sflag:s22], $0x4000  }
0x8f: {  	[sflag:s22] =	ssyncset.done $0x0  }
0x90: {  	s30 =	sadd.s32 $0x15100, s29;
	[sflag:s22] =	ssyncadd.s32 $0xFFFFC000  }
0x91: {  	[tilespmem:s15], [sflag:$0x1] =	stream.indirect.gather [hbm4b:s1+s19], $0x80, s30, s19, $0xb8;
	[tilespmem:$0x1F800] =	vst v63  }
.Ltmp2:
0x92: {  	_ = 	snop;
	(pc) =	sbr.rel @p0 .LBB2_6-.Ltmp2, $4  }
0x93: {  	s29 =	sadd.s32 $0x16480, s29  }
0x94: {  	[spmem:s3] =	stream.indirect.scatter.add.f32 [tilespmem:s21], [sflag:$0x3], $0x80, s29, s19, $0xb8;
	[tilespmem:$0x1F800] =	vst v63  }
0x95: {  	_ =	swait.ge [sflag:s16], $0x4000  }
0x96: {  	[sflag:s16] =	ssyncset.done $0x0  }
0x97: {  	[sflag:s16] =	ssyncadd.s32 $0xFFFFC000  }
0x98: {  	_ =	swait.ge [sflag:s20], $0x4000  }
0x99: {  	[sflag:s20] =	ssyncset.done $0x0  }
0x9a: {  	[sflag:s20] =	ssyncadd.s32 $0xFFFFC000  }
0x9b: {  	[tilespmem:s21], [sflag:$0x2] =	stream.indirect.gather [hbm4b:s1+s19], $0x80, s24, s19, $0xb8;
	[tilespmem:$0x1F800] =	vst v63  }
0x9c: {  	_ = 	snop  }
0x9d: {  	[spmem:s3] =	stream.indirect.scatter.add.f32 [tilespmem:s15], [sflag:$0x3], $0x80, s25, s19, $0xb8;
	[tilespmem:$0x1F800] =	vst v63  }
0x9e: {  	_ =	swait.ge [sflag:s16], $0x4000  }
0x9f: {  	[sflag:s16] =	ssyncset.done $0x0  }
0xa0: {  	[sflag:s16] =	ssyncadd.s32 $0xFFFFC000  }
0xa1: {  	_ =	swait.ge [sflag:s22], $0x4000  }
0xa2: {  	[sflag:s22] =	ssyncset.done $0x0  }
0xa3: {  	[sflag:s22] =	ssyncadd.s32 $0xFFFFC000  }
0xa4: {  	[tilespmem:s15], [sflag:$0x1] =	stream.indirect.gather [hbm4b:s1+s19], $0x80, s24, s19, $0xb8;
	[tilespmem:$0x1F800] =	vst v63  }
0xa5: {  	_ = 	snop  }
0xa6: {  	[spmem:s3] =	stream.indirect.scatter.add.f32 [tilespmem:s21], [sflag:$0x3], $0x80, s26, s19, $0xb8;
	[tilespmem:$0x1F800] =	vst v63  }
0xa7: {  	_ =	swait.ge [sflag:s16], $0x4000  }
0xa8: {  	[sflag:s16] =	ssyncset.done $0x0  }
0xa9: {  	[sflag:s16] =	ssyncadd.s32 $0xFFFFC000  }
0xaa: {  	_ =	swait.ge [sflag:s20], $0x4000  }
0xab: {  	s28 =	sshll.u32 s0, $0x6;
	s4 =	sadd.s32 $0x1, s4;
	[sflag:s20] =	ssyncset.done $0x0  }
0xac: {  	s29 =	sshrl.u32 s5, $0x3;
	p0 =	sne.s32 s4, s11;
	[sflag:s20] =	ssyncadd.s32 $0xFFFFC000  }
.Ltmp3:
0xad: {  	s28 =	sor.u32 $0x1C03, s28;
	[bflag:$0x0] =	sbarrier.arrive $0xFFFF;
	(pc) =	sbr.rel @p0 .LBB2_1-.Ltmp3, $4  }
0xae: {  	[hbm:s10], [sflag:s28] =	dma.local [spmem:s29], $0x2780  }
0xaf: {  	_ =	swait.ge [sflag:s16], $0x2780  }
0xb0: {  	[sflag:s16] =	ssyncset.done $0x0  }
0xb1: {  	[sflag:s16] =	ssyncadd.s32 $0xFFFFD880  }
0xb2: {  	_ =	sfence.sel $0x180000  }
0xb3: {  	[bflag:$0x0] =	sbarrier.arrive $0xFFFF  }
0xb4: {  	p0 =	sne.s32 s0, $0x0;
	_ =	strace $0x90000047  }
0xb5: {  	s0 =	sadd.s32 @!p0 $0x100000, s2;
	[bflag:$0x2] =	sbarrier.arrive $0xFFFF  }
0xb6: {  	[sflag:s0] =	ssyncadd.tile.s32 @!p0 $0x1;
	_ =	shalt  }
.Lfunc_end2:
_tile_overlayer_lowered:
.L_overlay_start_2:
0xb7: {  	(tag) =	ssettag $0x2  }
0xb8: {  	s0 =	rddreg [dreg:$0x0];
	s2 =	stileid.u32  }
0xb9: {  	s1 =	rddreg [dreg:$0x1];
	p0 =	sne.s32 s2, $0x0  }
0xba: {  	s3 =	rddreg [dreg:$0x2];
	[bflag:$0x3] =	sbarrier.arrive $0xFFFF;
	s2 =	simm.s32 @!p0 $0x1C03  }
0xbb: {  	[timem:s3], [sflag:s2] =	dma.local @!p0 [hbm:s0], s1  }
0xbc: {  	s0 =	simm.s32 @!p0 $0x3  }
0xbd: {  	_ =	swait.ge @!p0 [sflag:s0], s1  }
0xbe: {  	s1 =	ssub.s32 @!p0 $0x0, s1;
	[sflag:s0] =	ssyncset.done @!p0 $0x0  }
0xbf: {  	[sflag:s0] =	ssyncadd.s32 @!p0 s1  }
0xc0: {  	[bflag:$0x3] =	sbarrier.arrive $0xFFFF  }
0xc1: {  	_ =	shalt  }

</sc_bundles>
